<compile_context>
chip_gen: v7x
topology: tpu7x:2x2x1
jax: 0.10.2.dev20260603
libtpu: 0.0.44.dev20260713+nightly
codegen_flags: <defaults>
</compile_context>

<pallas_src>
import functools

import jax
import jax.numpy as jnp
from jax import lax
from jax.experimental import pallas as pl
from jax.experimental.pallas import tpu as pltpu
from jax.experimental.pallas import tpu_sc as plsc

HIDDEN = 64
NQ = HIDDEN // 16
EPS = 1e-5
L = 16
NC, NS = 2, 16
NW = NC * NS
GROUP = 128
PADW = 128


def _rsqrt(x):
    i = lax.bitcast_convert_type(x, jnp.int32)
    i = jnp.int32(0x5F3759DF) - (i >> 1)
    y = lax.bitcast_convert_type(i, jnp.float32)
    for _ in range(2):
        y = y * (1.5 - 0.5 * x * y * y)
    return y


def _bsum(v, iota):
    for sh in (8, 4, 2, 1):
        v = v + v.at[iota ^ sh].get(mode="promise_in_bounds")
    return v


def _make_sc_kernel(B):
    per_tile = B // NW
    ngroups = per_tile // GROUP
    mesh = plsc.VectorSubcoreMesh(
        core_axis_name="c", subcore_axis_name="s",
        num_cores=NC, num_subcores=NS)

    @functools.partial(
        pl.kernel,
        out_type=jax.ShapeDtypeStruct((B, HIDDEN), jnp.float32),
        mesh=mesh,
        scratch_types=[
            pltpu.VMEM((per_tile // GROUP, GROUP), jnp.int32),
            pltpu.VMEM((GROUP, PADW), jnp.float32),
            pltpu.VMEM((GROUP, PADW), jnp.float32),
            pltpu.VMEM((GROUP, HIDDEN), jnp.float32),
            pltpu.VMEM((GROUP, HIDDEN), jnp.float32),
            pltpu.VMEM((HIDDEN,), jnp.float32),
            pltpu.VMEM((HIDDEN,), jnp.float32),
            pltpu.SemaphoreType.DMA, pltpu.SemaphoreType.DMA,
            pltpu.SemaphoreType.DMA, pltpu.SemaphoreType.DMA,
        ],
        compiler_params=pltpu.CompilerParams(
            needs_layout_passes=False, use_tc_tiling_on_sc=True),
    )
    def sc_kernel(idx_hbm, table_hbm, gamma_hbm, beta_hbm, out_hbm,
                  idx_v, ibuf0, ibuf1, obuf0, obuf1,
                  gamma_v, beta_v, gsem0, gsem1, osem0, osem1):
        ibuf = (ibuf0, ibuf1)
        obuf = (obuf0, obuf1)
        gsem = (gsem0, gsem1)
        osem = (osem0, osem1)
        wid = lax.axis_index("s") * NC + lax.axis_index("c")
        base = wid * per_tile

        pltpu.sync_copy(idx_hbm.at[pl.ds(wid * ngroups, ngroups)], idx_v)
        pltpu.sync_copy(gamma_hbm, gamma_v)
        pltpu.sync_copy(beta_hbm, beta_v)

        g4 = [gamma_v[pl.ds(q * L, L)] for q in range(NQ)]
        b4 = [beta_v[pl.ds(q * L, L)] for q in range(NQ)]
        iota = lax.iota(jnp.int32, L)

        def gather(g, b):
            return pltpu.make_async_copy(
                table_hbm.at[idx_v.at[g]], ibuf[b], gsem[b])

        def out_copy(g, b):
            return pltpu.make_async_copy(
                obuf[b], out_hbm.at[pl.ds(base + g * GROUP, GROUP)],
                osem[b])

        def compute_group(b):
            src, dst = ibuf[b], obuf[b]

            def row_body(r):
                x = [src[r, pl.ds(q * L, L)] for q in range(NQ)]
                p = (x[0] + x[1]) + (x[2] + x[3])
                sq = (x[0] * x[0] + x[1] * x[1]) + (x[2] * x[2]
                                                    + x[3] * x[3])
                total = _bsum(p, iota)
                totsq = _bsum(sq, iota)
                mean = total * (1.0 / HIDDEN)
                var = totsq * (1.0 / HIDDEN) - mean * mean
                rstd = _rsqrt(var + EPS)
                nmr = -mean * rstd
                for q in range(NQ):
                    dst[r, pl.ds(q * L, L)] = (
                        (x[q] * rstd + nmr) * g4[q] + b4[q])

            plsc.parallel_loop(0, GROUP, 1, unroll=8)(row_body)

        gather(0, 0).start()
        gather(1, 1).start()

        def group_body(g, _):
            for phase in range(2):
                gg = g * 2 + phase
                pl.when(gg >= 2)(lambda: out_copy(gg - 2, phase).wait())
                gather(gg, phase).wait()
                compute_group(phase)
                out_copy(gg, phase).start()
                pl.when(gg + 2 < ngroups)(
                    lambda: gather(gg + 2, phase).start())
            return 0

        lax.fori_loop(0, ngroups // 2, group_body, 0)
        out_copy(ngroups - 2, 0).wait()
        out_copy(ngroups - 1, 1).wait()

    return sc_kernel


def kernel(input_idx, table, ln_gamma, ln_beta):
    nb, nt = input_idx.shape
    B = nb * nt
    idx = input_idx.reshape(B // GROUP, GROUP).astype(jnp.int32)
    table_pad = jnp.pad(table, ((0, 0), (0, PADW - HIDDEN)))
    out = _make_sc_kernel(B)(idx, table_pad, ln_gamma, ln_beta)
    return out.reshape(nb, nt, HIDDEN)

# --- scband reference (transcript-rebuilt; emitter-appended) ---
"""Pipeline reference for scband-embeder-28544352649555 (READ-ONLY COPY).

The authoritative reference and input builder live on the scoring server;
editing this copy changes nothing except your own understanding.
"""

import jax, jax.numpy as jnp
import numpy as np

TOKEN_SIZE = 1000000
HIDDEN = 64
EPS = 1e-5

def setup_inputs(seed: int = 0) -> dict:
    key = jax.random.key(seed)
    k1, k2 = jax.random.split(key)
    input_idx = jax.random.randint(k1, (4096, 200), 0, TOKEN_SIZE, dtype=jnp.int64 if jax.config.jax_enable_x64 else jnp.int32)
    table = jax.random.normal(k2, (TOKEN_SIZE, HIDDEN), dtype=jnp.float32)
    ln_gamma = jnp.ones((HIDDEN,), dtype=jnp.float32)
    ln_beta = jnp.zeros((HIDDEN,), dtype=jnp.float32)
    return {"input_idx": input_idx, "table": table, "ln_gamma": ln_gamma, "ln_beta": ln_beta}

def _layer_norm(x, gamma, beta):
    mean = jnp.mean(x, axis=-1, keepdims=True)
    var = jnp.mean(jnp.square(x - mean), axis=-1, keepdims=True)
    xhat = (x - mean) / jnp.sqrt(var + EPS)
    return xhat * gamma + beta

def reference(input_idx, table, ln_gamma, ln_beta):
    # nn.Embedding lookup -> gather
    emb = jnp.take(table, input_idx, axis=0)
    # type_embeding is None, input_mask is None in this configuration
    emb = _layer_norm(emb, ln_gamma, ln_beta)
    # Dropout in eval mode is identity
    return emb

if __name__ == "__main__":
    import jax
    _d = setup_inputs()
    print(jax.jit(kernel)(*tuple(_d.values())))

</pallas_src>

<mosaic_0001>
#map = affine_map<(d0, d1) -> (0, 0)>
#map1 = affine_map<(d0, d1) -> (0)>
module attributes {stable_mosaic.version = 14 : i64} {
  func.func @sc_kernel(%arg0: i32, %arg1: i32, %arg2: memref<6400x128xi32, #tpu.memory_space<hbm>>, %arg3: memref<1000000x128xf32, #tpu.memory_space<hbm>>, %arg4: memref<64xf32, #tpu.memory_space<hbm>>, %arg5: memref<64xf32, #tpu.memory_space<hbm>>, %arg6: memref<819200x64xf32, #tpu.memory_space<hbm>>, %arg7: memref<200x128xi32, #tpu.memory_space<vmem>>, %arg8: memref<128x128xf32, #tpu.memory_space<vmem>>, %arg9: memref<128x128xf32, #tpu.memory_space<vmem>>, %arg10: memref<128x64xf32, #tpu.memory_space<vmem>>, %arg11: memref<128x64xf32, #tpu.memory_space<vmem>>, %arg12: memref<64xf32, #tpu.memory_space<vmem>>, %arg13: memref<64xf32, #tpu.memory_space<vmem>>, %arg14: memref<!tpu.dma_semaphore, #tpu.memory_space<semaphore_mem>>, %arg15: memref<!tpu.dma_semaphore, #tpu.memory_space<semaphore_mem>>, %arg16: memref<!tpu.dma_semaphore, #tpu.memory_space<semaphore_mem>>, %arg17: memref<!tpu.dma_semaphore, #tpu.memory_space<semaphore_mem>>) attributes {dimension_semantics = [#tpu.dimension_semantics<core_parallel>, #tpu.dimension_semantics<subcore_parallel>], iteration_bounds = array<i64: 2, 16>, scalar_prefetch = 0 : i64, scratch_operands = 11 : i64, tpu.core_type = #tpu.core_type<sc_vector_subcore>, window_params = [{transform_indices = #map}, {transform_indices = #map}, {transform_indices = #map1}, {transform_indices = #map1}, {transform_indices = #map}]} {
    %mul3A = arith.constant 2 : i32
    %mul3A_0 = arith.muli %arg1, %mul3A : i32
    %add3A = arith.addi %mul3A_0, %arg0 : i32
    %mul3A_1 = arith.constant 25600 : i32
    %mul3A_2 = arith.muli %add3A, %mul3A_1 : i32
    %mul3A_3 = arith.constant 200 : i32
    %mul3A_4 = arith.muli %add3A, %mul3A_3 : i32
    "tpu.region"() ({
      %run_scoped3A = tpu.sem_alloc : memref<!tpu.dma_semaphore, #tpu.memory_space<semaphore_mem>>
      %dma_start3A_50 = arith.constant 0 : i32
      %dma_start3A_51 = tpu.memref_slice %arg2[%mul3A_4, %dma_start3A_50] : memref<6400x128xi32, #tpu.memory_space<hbm>> -> memref<200x128xi32, #tpu.memory_space<hbm>>
      %dma_start3A_52 = arith.constant 0 : i32
      %dma_start3A_53 = tpu.memref_slice %arg2[%mul3A_4, %dma_start3A_52] : memref<6400x128xi32, #tpu.memory_space<hbm>> -> memref<200x128xi32, #tpu.memory_space<hbm>>
      tpu.enqueue_dma source(%dma_start3A_53 : memref<200x128xi32, #tpu.memory_space<hbm>>) target(%arg7 : memref<200x128xi32, #tpu.memory_space<vmem>>) target_semaphore(%run_scoped3A : memref<!tpu.dma_semaphore, #tpu.memory_space<semaphore_mem>>)
      %dma_wait3A_54 = arith.constant 0 : i32
      %dma_wait3A_55 = tpu.memref_slice %arg2[%mul3A_4, %dma_wait3A_54] : memref<6400x128xi32, #tpu.memory_space<hbm>> -> memref<200x128xi32, #tpu.memory_space<hbm>>
      %dma_wait3A_56 = arith.constant 0 : i32
      %dma_wait3A_57 = tpu.memref_slice %arg2[%mul3A_4, %dma_wait3A_56] : memref<6400x128xi32, #tpu.memory_space<hbm>> -> memref<200x128xi32, #tpu.memory_space<hbm>>
      tpu.wait_dma2 semaphore(%run_scoped3A : memref<!tpu.dma_semaphore, #tpu.memory_space<semaphore_mem>>) src(%dma_wait3A_57 : memref<200x128xi32, #tpu.memory_space<hbm>>) dst(%arg7 : memref<200x128xi32, #tpu.memory_space<vmem>>)
      tpu.yield
    }) : () -> ()
    "tpu.region"() ({
      %run_scoped3A = tpu.sem_alloc : memref<!tpu.dma_semaphore, #tpu.memory_space<semaphore_mem>>
      tpu.enqueue_dma source(%arg4 : memref<64xf32, #tpu.memory_space<hbm>>) target(%arg12 : memref<64xf32, #tpu.memory_space<vmem>>) target_semaphore(%run_scoped3A : memref<!tpu.dma_semaphore, #tpu.memory_space<semaphore_mem>>)
      tpu.wait_dma2 semaphore(%run_scoped3A : memref<!tpu.dma_semaphore, #tpu.memory_space<semaphore_mem>>) src(%arg4 : memref<64xf32, #tpu.memory_space<hbm>>) dst(%arg12 : memref<64xf32, #tpu.memory_space<vmem>>)
      tpu.yield
    }) : () -> ()
    "tpu.region"() ({
      %run_scoped3A = tpu.sem_alloc : memref<!tpu.dma_semaphore, #tpu.memory_space<semaphore_mem>>
      tpu.enqueue_dma source(%arg5 : memref<64xf32, #tpu.memory_space<hbm>>) target(%arg13 : memref<64xf32, #tpu.memory_space<vmem>>) target_semaphore(%run_scoped3A : memref<!tpu.dma_semaphore, #tpu.memory_space<semaphore_mem>>)
      tpu.wait_dma2 semaphore(%run_scoped3A : memref<!tpu.dma_semaphore, #tpu.memory_space<semaphore_mem>>) src(%arg5 : memref<64xf32, #tpu.memory_space<hbm>>) dst(%arg13 : memref<64xf32, #tpu.memory_space<vmem>>)
      tpu.yield
    }) : () -> ()
    %get3A = arith.constant 0 : index
    %get3A_5 = tpu.vector_load %arg12[%get3A] {strides = array<i32>} : memref<64xf32, #tpu.memory_space<vmem>>, vector<16xf32>,
    %get3A_6 = arith.constant 16 : index
    %get3A_7 = tpu.vector_load %arg12[%get3A_6] {strides = array<i32>} : memref<64xf32, #tpu.memory_space<vmem>>, vector<16xf32>,
    %get3A_8 = arith.constant 32 : index
    %get3A_9 = tpu.vector_load %arg12[%get3A_8] {strides = array<i32>} : memref<64xf32, #tpu.memory_space<vmem>>, vector<16xf32>,
    %get3A_10 = arith.constant 48 : index
    %get3A_11 = tpu.vector_load %arg12[%get3A_10] {strides = array<i32>} : memref<64xf32, #tpu.memory_space<vmem>>, vector<16xf32>,
    %get3A_12 = arith.constant 0 : index
    %get3A_13 = tpu.vector_load %arg13[%get3A_12] {strides = array<i32>} : memref<64xf32, #tpu.memory_space<vmem>>, vector<16xf32>,
    %get3A_14 = arith.constant 16 : index
    %get3A_15 = tpu.vector_load %arg13[%get3A_14] {strides = array<i32>} : memref<64xf32, #tpu.memory_space<vmem>>, vector<16xf32>,
    %get3A_16 = arith.constant 32 : index
    %get3A_17 = tpu.vector_load %arg13[%get3A_16] {strides = array<i32>} : memref<64xf32, #tpu.memory_space<vmem>>, vector<16xf32>,
    %get3A_18 = arith.constant 48 : index
    %get3A_19 = tpu.vector_load %arg13[%get3A_18] {strides = array<i32>} : memref<64xf32, #tpu.memory_space<vmem>>, vector<16xf32>,
    %iota3A = tpu.iota {dimensions = array<i32: 0>} : vector<16xi32>
    %dma_start3A = arith.constant 0 : i32
    %dma_start3A_20 = arith.constant 0 : i32
    %dma_start3A_21 = tpu.memref_slice %arg7[%dma_start3A, %dma_start3A_20] : memref<200x128xi32, #tpu.memory_space<vmem>> -> memref<1x128xi32, #tpu.memory_space<vmem>>
    %dma_start3A_22 = tpu.memref_squeeze %dma_start3A_21 : memref<1x128xi32, #tpu.memory_space<vmem>> -> memref<128xi32, #tpu.memory_space<vmem>>
    %dma_start3A_23 = arith.constant 0 : i32
    %dma_start3A_24 = arith.constant 0 : i32
    %dma_start3A_25 = tpu.memref_slice %arg3[%dma_start3A_23, %dma_start3A_24] : memref<1000000x128xf32, #tpu.memory_space<hbm>> -> memref<1000000x128xf32, #tpu.memory_space<hbm>>
    tpu.enqueue_indirect_dma source(%dma_start3A_25 : memref<1000000x128xf32, #tpu.memory_space<hbm>>) target(%arg8 : memref<128x128xf32, #tpu.memory_space<vmem>>) offsets(%dma_start3A_22 : memref<128xi32, #tpu.memory_space<vmem>>) semaphore(%arg14 : memref<!tpu.dma_semaphore, #tpu.memory_space<semaphore_mem>>)
    %dma_start3A_26 = arith.constant 1 : i32
    %dma_start3A_27 = arith.constant 0 : i32
    %dma_start3A_28 = tpu.memref_slice %arg7[%dma_start3A_26, %dma_start3A_27] : memref<200x128xi32, #tpu.memory_space<vmem>> -> memref<1x128xi32, #tpu.memory_space<vmem>>
    %dma_start3A_29 = tpu.memref_squeeze %dma_start3A_28 : memref<1x128xi32, #tpu.memory_space<vmem>> -> memref<128xi32, #tpu.memory_space<vmem>>
    %dma_start3A_30 = arith.constant 0 : i32
    %dma_start3A_31 = arith.constant 0 : i32
    %dma_start3A_32 = tpu.memref_slice %arg3[%dma_start3A_30, %dma_start3A_31] : memref<1000000x128xf32, #tpu.memory_space<hbm>> -> memref<1000000x128xf32, #tpu.memory_space<hbm>>
    tpu.enqueue_indirect_dma source(%dma_start3A_32 : memref<1000000x128xf32, #tpu.memory_space<hbm>>) target(%arg9 : memref<128x128xf32, #tpu.memory_space<vmem>>) offsets(%dma_start3A_29 : memref<128xi32, #tpu.memory_space<vmem>>) semaphore(%arg15 : memref<!tpu.dma_semaphore, #tpu.memory_space<semaphore_mem>>)
    %scan3A = arith.constant 0 : i32
    %scan3A_33 = arith.constant 0 : i32
    %scan3A_34 = arith.constant 100 : i32
    %scan3A_35 = arith.addi %scan3A_33, %scan3A_34 : i32
    %scan3A_36 = arith.constant 1 : i32
    %scan3A_37 = scf.for %scan3A_50 = %scan3A_33 to %scan3A_35 step %scan3A_36 iter_args(%scan3A_51 = %scan3A) -> (i32)  : i32 {
      %mul3A_52 = arith.constant 2 : i32
      %mul3A_53 = arith.muli %scan3A_50, %mul3A_52 : i32
      %add3A_54 = arith.constant 0 : i32
      %add3A_55 = arith.addi %mul3A_53, %add3A_54 : i32
      %ge3A = arith.constant 2 : i32
      %ge3A_56 = arith.cmpi sge, %add3A_55, %ge3A : i32
      %convert_element_type3A = arith.extui %ge3A_56 : i1 to i32
      %cond3A = arith.constant 0 : i32
      %cond3A_57 = arith.cmpi ne, %convert_element_type3A, %cond3A : i32
      scf.if %cond3A_57 {
        %sub3A = arith.constant 2 : i32
        %sub3A_112 = arith.subi %add3A_55, %sub3A : i32
        %mul3A_113 = arith.constant 128 : i32
        %mul3A_114 = arith.muli %sub3A_112, %mul3A_113 : i32
        %add3A_115 = arith.addi %mul3A_2, %mul3A_114 : i32
        %dma_wait3A_116 = arith.constant 0 : i32
        %dma_wait3A_117 = tpu.memref_slice %arg6[%add3A_115, %dma_wait3A_116] : memref<819200x64xf32, #tpu.memory_space<hbm>> -> memref<128x64xf32, #tpu.memory_space<hbm>>
        %dma_wait3A_118 = arith.constant 0 : i32
        %dma_wait3A_119 = tpu.memref_slice %arg6[%add3A_115, %dma_wait3A_118] : memref<819200x64xf32, #tpu.memory_space<hbm>> -> memref<128x64xf32, #tpu.memory_space<hbm>>
        tpu.wait_dma2 semaphore(%arg16 : memref<!tpu.dma_semaphore, #tpu.memory_space<semaphore_mem>>) src(%arg10 : memref<128x64xf32, #tpu.memory_space<vmem>>) dst(%dma_wait3A_119 : memref<128x64xf32, #tpu.memory_space<hbm>>)
      } else {
      }
      %dma_wait3A_58 = arith.constant 0 : i32
      %dma_wait3A_59 = tpu.memref_slice %arg7[%add3A_55, %dma_wait3A_58] : memref<200x128xi32, #tpu.memory_space<vmem>> -> memref<1x128xi32, #tpu.memory_space<vmem>>
      %dma_wait3A_60 = tpu.memref_squeeze %dma_wait3A_59 : memref<1x128xi32, #tpu.memory_space<vmem>> -> memref<128xi32, #tpu.memory_space<vmem>>
      %dma_wait3A_61 = arith.constant 0 : i32
      %dma_wait3A_62 = arith.constant 0 : i32
      %dma_wait3A_63 = tpu.memref_slice %arg3[%dma_wait3A_61, %dma_wait3A_62] : memref<1000000x128xf32, #tpu.memory_space<hbm>> -> memref<1000000x128xf32, #tpu.memory_space<hbm>>
      tpu.wait_indirect_dma semaphore(%arg14 : memref<!tpu.dma_semaphore, #tpu.memory_space<semaphore_mem>>) src(%dma_wait3A_63 : memref<1000000x128xf32, #tpu.memory_space<hbm>>) dst(%arg8 : memref<128x128xf32, #tpu.memory_space<vmem>>)
      %parallel_loop3A = arith.constant 0 : i32
      %parallel_loop3A_64 = arith.constant 128 : i32
      %parallel_loop3A_65 = arith.constant 1 : i32
      scf.for %parallel_loop3A_112 = %parallel_loop3A to %parallel_loop3A_64 step %parallel_loop3A_65  : i32 {
        %parallel_loop3A_113 = arith.index_cast %parallel_loop3A_112 : i32 to index
        %parallel_loop3A_114 = arith.constant 0 : index
        %parallel_loop3A_115 = tpu.vector_load %arg8[%parallel_loop3A_113, %parallel_loop3A_114] {strides = array<i32>} : memref<128x128xf32, #tpu.memory_space<vmem>>, vector<16xf32>,
        %parallel_loop3A_116 = arith.index_cast %parallel_loop3A_112 : i32 to index
        %parallel_loop3A_117 = arith.constant 16 : index
        %parallel_loop3A_118 = tpu.vector_load %arg8[%parallel_loop3A_116, %parallel_loop3A_117] {strides = array<i32>} : memref<128x128xf32, #tpu.memory_space<vmem>>, vector<16xf32>,
        %parallel_loop3A_119 = arith.index_cast %parallel_loop3A_112 : i32 to index
        %parallel_loop3A_120 = arith.constant 32 : index
        %parallel_loop3A_121 = tpu.vector_load %arg8[%parallel_loop3A_119, %parallel_loop3A_120] {strides = array<i32>} : memref<128x128xf32, #tpu.memory_space<vmem>>, vector<16xf32>,
        %parallel_loop3A_122 = arith.index_cast %parallel_loop3A_112 : i32 to index
        %parallel_loop3A_123 = arith.constant 48 : index
        %parallel_loop3A_124 = tpu.vector_load %arg8[%parallel_loop3A_122, %parallel_loop3A_123] {strides = array<i32>} : memref<128x128xf32, #tpu.memory_space<vmem>>, vector<16xf32>,
        %parallel_loop3A_125 = arith.addf %parallel_loop3A_115, %parallel_loop3A_118 : vector<16xf32>
        %parallel_loop3A_126 = arith.addf %parallel_loop3A_121, %parallel_loop3A_124 : vector<16xf32>
        %parallel_loop3A_127 = arith.addf %parallel_loop3A_125, %parallel_loop3A_126 : vector<16xf32>
        %parallel_loop3A_128 = arith.mulf %parallel_loop3A_115, %parallel_loop3A_115 : vector<16xf32>
        %parallel_loop3A_129 = arith.mulf %parallel_loop3A_118, %parallel_loop3A_118 : vector<16xf32>
        %parallel_loop3A_130 = arith.addf %parallel_loop3A_128, %parallel_loop3A_129 : vector<16xf32>
        %parallel_loop3A_131 = arith.mulf %parallel_loop3A_121, %parallel_loop3A_121 : vector<16xf32>
        %parallel_loop3A_132 = arith.mulf %parallel_loop3A_124, %parallel_loop3A_124 : vector<16xf32>
        %parallel_loop3A_133 = arith.addf %parallel_loop3A_131, %parallel_loop3A_132 : vector<16xf32>
        %parallel_loop3A_134 = arith.addf %parallel_loop3A_130, %parallel_loop3A_133 : vector<16xf32>
        %parallel_loop3A_135 = arith.constant 8 : i32
        %parallel_loop3A_136 = vector.broadcast %parallel_loop3A_135 : i32 to vector<16xi32>
        %parallel_loop3A_137 = arith.xori %iota3A, %parallel_loop3A_136 : vector<16xi32>
        %parallel_loop3A_138 = arith.constant 0 : i32
        %parallel_loop3A_139 = vector.broadcast %parallel_loop3A_138 : i32 to vector<16xi32>
        %parallel_loop3A_140 = arith.cmpi slt, %parallel_loop3A_137, %parallel_loop3A_139 : vector<16xi32>
        %parallel_loop3A_141 = arith.constant 16 : i32
        %parallel_loop3A_142 = vector.broadcast %parallel_loop3A_141 : i32 to vector<16xi32>
        %parallel_loop3A_143 = arith.addi %parallel_loop3A_137, %parallel_loop3A_142 : vector<16xi32>
        %parallel_loop3A_144 = arith.select %parallel_loop3A_140, %parallel_loop3A_143, %parallel_loop3A_137 : vector<16xi1>, vector<16xi32>
        %parallel_loop3A_145 = vector.shape_cast %parallel_loop3A_144 : vector<16xi32> to vector<16x1xi32>
        %parallel_loop3A_146 = vector.shape_cast %parallel_loop3A_145 : vector<16x1xi32> to vector<16xi32>
        %parallel_loop3A_147 = tpu.dynamic_gather %parallel_loop3A_127[%parallel_loop3A_146] in [0] : vector<16xf32>, vector<16xi32> -> vector<16xf32>
        %parallel_loop3A_148 = arith.addf %parallel_loop3A_127, %parallel_loop3A_147 : vector<16xf32>
        %parallel_loop3A_149 = arith.constant 4 : i32
        %parallel_loop3A_150 = vector.broadcast %parallel_loop3A_149 : i32 to vector<16xi32>
        %parallel_loop3A_151 = arith.xori %iota3A, %parallel_loop3A_150 : vector<16xi32>
        %parallel_loop3A_152 = arith.constant 0 : i32
        %parallel_loop3A_153 = vector.broadcast %parallel_loop3A_152 : i32 to vector<16xi32>
        %parallel_loop3A_154 = arith.cmpi slt, %parallel_loop3A_151, %parallel_loop3A_153 : vector<16xi32>
        %parallel_loop3A_155 = arith.constant 16 : i32
        %parallel_loop3A_156 = vector.broadcast %parallel_loop3A_155 : i32 to vector<16xi32>
        %parallel_loop3A_157 = arith.addi %parallel_loop3A_151, %parallel_loop3A_156 : vector<16xi32>
        %parallel_loop3A_158 = arith.select %parallel_loop3A_154, %parallel_loop3A_157, %parallel_loop3A_151 : vector<16xi1>, vector<16xi32>
        %parallel_loop3A_159 = vector.shape_cast %parallel_loop3A_158 : vector<16xi32> to vector<16x1xi32>
        %parallel_loop3A_160 = vector.shape_cast %parallel_loop3A_159 : vector<16x1xi32> to vector<16xi32>
        %parallel_loop3A_161 = tpu.dynamic_gather %parallel_loop3A_148[%parallel_loop3A_160] in [0] : vector<16xf32>, vector<16xi32> -> vector<16xf32>
        %parallel_loop3A_162 = arith.addf %parallel_loop3A_148, %parallel_loop3A_161 : vector<16xf32>
        %parallel_loop3A_163 = arith.constant 2 : i32
        %parallel_loop3A_164 = vector.broadcast %parallel_loop3A_163 : i32 to vector<16xi32>
        %parallel_loop3A_165 = arith.xori %iota3A, %parallel_loop3A_164 : vector<16xi32>
        %parallel_loop3A_166 = arith.constant 0 : i32
        %parallel_loop3A_167 = vector.broadcast %parallel_loop3A_166 : i32 to vector<16xi32>
        %parallel_loop3A_168 = arith.cmpi slt, %parallel_loop3A_165, %parallel_loop3A_167 : vector<16xi32>
        %parallel_loop3A_169 = arith.constant 16 : i32
        %parallel_loop3A_170 = vector.broadcast %parallel_loop3A_169 : i32 to vector<16xi32>
        %parallel_loop3A_171 = arith.addi %parallel_loop3A_165, %parallel_loop3A_170 : vector<16xi32>
        %parallel_loop3A_172 = arith.select %parallel_loop3A_168, %parallel_loop3A_171, %parallel_loop3A_165 : vector<16xi1>, vector<16xi32>
        %parallel_loop3A_173 = vector.shape_cast %parallel_loop3A_172 : vector<16xi32> to vector<16x1xi32>
        %parallel_loop3A_174 = vector.shape_cast %parallel_loop3A_173 : vector<16x1xi32> to vector<16xi32>
        %parallel_loop3A_175 = tpu.dynamic_gather %parallel_loop3A_162[%parallel_loop3A_174] in [0] : vector<16xf32>, vector<16xi32> -> vector<16xf32>
        %parallel_loop3A_176 = arith.addf %parallel_loop3A_162, %parallel_loop3A_175 : vector<16xf32>
        %parallel_loop3A_177 = arith.constant 1 : i32
        %parallel_loop3A_178 = vector.broadcast %parallel_loop3A_177 : i32 to vector<16xi32>
        %parallel_loop3A_179 = arith.xori %iota3A, %parallel_loop3A_178 : vector<16xi32>
        %parallel_loop3A_180 = arith.constant 0 : i32
        %parallel_loop3A_181 = vector.broadcast %parallel_loop3A_180 : i32 to vector<16xi32>
        %parallel_loop3A_182 = arith.cmpi slt, %parallel_loop3A_179, %parallel_loop3A_181 : vector<16xi32>
        %parallel_loop3A_183 = arith.constant 16 : i32
        %parallel_loop3A_184 = vector.broadcast %parallel_loop3A_183 : i32 to vector<16xi32>
        %parallel_loop3A_185 = arith.addi %parallel_loop3A_179, %parallel_loop3A_184 : vector<16xi32>
        %parallel_loop3A_186 = arith.select %parallel_loop3A_182, %parallel_loop3A_185, %parallel_loop3A_179 : vector<16xi1>, vector<16xi32>
        %parallel_loop3A_187 = vector.shape_cast %parallel_loop3A_186 : vector<16xi32> to vector<16x1xi32>
        %parallel_loop3A_188 = vector.shape_cast %parallel_loop3A_187 : vector<16x1xi32> to vector<16xi32>
        %parallel_loop3A_189 = tpu.dynamic_gather %parallel_loop3A_176[%parallel_loop3A_188] in [0] : vector<16xf32>, vector<16xi32> -> vector<16xf32>
        %parallel_loop3A_190 = arith.addf %parallel_loop3A_176, %parallel_loop3A_189 : vector<16xf32>
        %parallel_loop3A_191 = arith.constant 8 : i32
        %parallel_loop3A_192 = vector.broadcast %parallel_loop3A_191 : i32 to vector<16xi32>
        %parallel_loop3A_193 = arith.xori %iota3A, %parallel_loop3A_192 : vector<16xi32>
        %parallel_loop3A_194 = arith.constant 0 : i32
        %parallel_loop3A_195 = vector.broadcast %parallel_loop3A_194 : i32 to vector<16xi32>
        %parallel_loop3A_196 = arith.cmpi slt, %parallel_loop3A_193, %parallel_loop3A_195 : vector<16xi32>
        %parallel_loop3A_197 = arith.constant 16 : i32
        %parallel_loop3A_198 = vector.broadcast %parallel_loop3A_197 : i32 to vector<16xi32>
        %parallel_loop3A_199 = arith.addi %parallel_loop3A_193, %parallel_loop3A_198 : vector<16xi32>
        %parallel_loop3A_200 = arith.select %parallel_loop3A_196, %parallel_loop3A_199, %parallel_loop3A_193 : vector<16xi1>, vector<16xi32>
        %parallel_loop3A_201 = vector.shape_cast %parallel_loop3A_200 : vector<16xi32> to vector<16x1xi32>
        %parallel_loop3A_202 = vector.shape_cast %parallel_loop3A_201 : vector<16x1xi32> to vector<16xi32>
        %parallel_loop3A_203 = tpu.dynamic_gather %parallel_loop3A_134[%parallel_loop3A_202] in [0] : vector<16xf32>, vector<16xi32> -> vector<16xf32>
        %parallel_loop3A_204 = arith.addf %parallel_loop3A_134, %parallel_loop3A_203 : vector<16xf32>
        %parallel_loop3A_205 = arith.constant 4 : i32
        %parallel_loop3A_206 = vector.broadcast %parallel_loop3A_205 : i32 to vector<16xi32>
        %parallel_loop3A_207 = arith.xori %iota3A, %parallel_loop3A_206 : vector<16xi32>
        %parallel_loop3A_208 = arith.constant 0 : i32
        %parallel_loop3A_209 = vector.broadcast %parallel_loop3A_208 : i32 to vector<16xi32>
        %parallel_loop3A_210 = arith.cmpi slt, %parallel_loop3A_207, %parallel_loop3A_209 : vector<16xi32>
        %parallel_loop3A_211 = arith.constant 16 : i32
        %parallel_loop3A_212 = vector.broadcast %parallel_loop3A_211 : i32 to vector<16xi32>
        %parallel_loop3A_213 = arith.addi %parallel_loop3A_207, %parallel_loop3A_212 : vector<16xi32>
        %parallel_loop3A_214 = arith.select %parallel_loop3A_210, %parallel_loop3A_213, %parallel_loop3A_207 : vector<16xi1>, vector<16xi32>
        %parallel_loop3A_215 = vector.shape_cast %parallel_loop3A_214 : vector<16xi32> to vector<16x1xi32>
        %parallel_loop3A_216 = vector.shape_cast %parallel_loop3A_215 : vector<16x1xi32> to vector<16xi32>
        %parallel_loop3A_217 = tpu.dynamic_gather %parallel_loop3A_204[%parallel_loop3A_216] in [0] : vector<16xf32>, vector<16xi32> -> vector<16xf32>
        %parallel_loop3A_218 = arith.addf %parallel_loop3A_204, %parallel_loop3A_217 : vector<16xf32>
        %parallel_loop3A_219 = arith.constant 2 : i32
        %parallel_loop3A_220 = vector.broadcast %parallel_loop3A_219 : i32 to vector<16xi32>
        %parallel_loop3A_221 = arith.xori %iota3A, %parallel_loop3A_220 : vector<16xi32>
        %parallel_loop3A_222 = arith.constant 0 : i32
        %parallel_loop3A_223 = vector.broadcast %parallel_loop3A_222 : i32 to vector<16xi32>
        %parallel_loop3A_224 = arith.cmpi slt, %parallel_loop3A_221, %parallel_loop3A_223 : vector<16xi32>
        %parallel_loop3A_225 = arith.constant 16 : i32
        %parallel_loop3A_226 = vector.broadcast %parallel_loop3A_225 : i32 to vector<16xi32>
        %parallel_loop3A_227 = arith.addi %parallel_loop3A_221, %parallel_loop3A_226 : vector<16xi32>
        %parallel_loop3A_228 = arith.select %parallel_loop3A_224, %parallel_loop3A_227, %parallel_loop3A_221 : vector<16xi1>, vector<16xi32>
        %parallel_loop3A_229 = vector.shape_cast %parallel_loop3A_228 : vector<16xi32> to vector<16x1xi32>
        %parallel_loop3A_230 = vector.shape_cast %parallel_loop3A_229 : vector<16x1xi32> to vector<16xi32>
        %parallel_loop3A_231 = tpu.dynamic_gather %parallel_loop3A_218[%parallel_loop3A_230] in [0] : vector<16xf32>, vector<16xi32> -> vector<16xf32>
        %parallel_loop3A_232 = arith.addf %parallel_loop3A_218, %parallel_loop3A_231 : vector<16xf32>
        %parallel_loop3A_233 = arith.constant 1 : i32
        %parallel_loop3A_234 = vector.broadcast %parallel_loop3A_233 : i32 to vector<16xi32>
        %parallel_loop3A_235 = arith.xori %iota3A, %parallel_loop3A_234 : vector<16xi32>
        %parallel_loop3A_236 = arith.constant 0 : i32
        %parallel_loop3A_237 = vector.broadcast %parallel_loop3A_236 : i32 to vector<16xi32>
        %parallel_loop3A_238 = arith.cmpi slt, %parallel_loop3A_235, %parallel_loop3A_237 : vector<16xi32>
        %parallel_loop3A_239 = arith.constant 16 : i32
        %parallel_loop3A_240 = vector.broadcast %parallel_loop3A_239 : i32 to vector<16xi32>
        %parallel_loop3A_241 = arith.addi %parallel_loop3A_235, %parallel_loop3A_240 : vector<16xi32>
        %parallel_loop3A_242 = arith.select %parallel_loop3A_238, %parallel_loop3A_241, %parallel_loop3A_235 : vector<16xi1>, vector<16xi32>
        %parallel_loop3A_243 = vector.shape_cast %parallel_loop3A_242 : vector<16xi32> to vector<16x1xi32>
        %parallel_loop3A_244 = vector.shape_cast %parallel_loop3A_243 : vector<16x1xi32> to vector<16xi32>
        %parallel_loop3A_245 = tpu.dynamic_gather %parallel_loop3A_232[%parallel_loop3A_244] in [0] : vector<16xf32>, vector<16xi32> -> vector<16xf32>
        %parallel_loop3A_246 = arith.addf %parallel_loop3A_232, %parallel_loop3A_245 : vector<16xf32>
        %parallel_loop3A_247 = arith.constant 1.562500e-02 : f32
        %parallel_loop3A_248 = vector.broadcast %parallel_loop3A_247 : f32 to vector<16xf32>
        %parallel_loop3A_249 = arith.mulf %parallel_loop3A_190, %parallel_loop3A_248 : vector<16xf32>
        %parallel_loop3A_250 = arith.constant 1.562500e-02 : f32
        %parallel_loop3A_251 = vector.broadcast %parallel_loop3A_250 : f32 to vector<16xf32>
        %parallel_loop3A_252 = arith.mulf %parallel_loop3A_246, %parallel_loop3A_251 : vector<16xf32>
        %parallel_loop3A_253 = arith.mulf %parallel_loop3A_249, %parallel_loop3A_249 : vector<16xf32>
        %parallel_loop3A_254 = arith.subf %parallel_loop3A_252, %parallel_loop3A_253 : vector<16xf32>
        %parallel_loop3A_255 = arith.constant 9.99999974E-6 : f32
        %parallel_loop3A_256 = vector.broadcast %parallel_loop3A_255 : f32 to vector<16xf32>
        %parallel_loop3A_257 = arith.addf %parallel_loop3A_254, %parallel_loop3A_256 : vector<16xf32>
        %parallel_loop3A_258 = tpu.bitcast %parallel_loop3A_257 : vector<16xf32> -> vector<16xi32>
        %parallel_loop3A_259 = arith.constant 1 : i32
        %parallel_loop3A_260 = vector.broadcast %parallel_loop3A_259 : i32 to vector<16xi32>
        %parallel_loop3A_261 = arith.shrsi %parallel_loop3A_258, %parallel_loop3A_260 : vector<16xi32>
        %parallel_loop3A_262 = arith.constant 1597463007 : i32
        %parallel_loop3A_263 = vector.broadcast %parallel_loop3A_262 : i32 to vector<16xi32>
        %parallel_loop3A_264 = arith.subi %parallel_loop3A_263, %parallel_loop3A_261 : vector<16xi32>
        %parallel_loop3A_265 = tpu.bitcast %parallel_loop3A_264 : vector<16xi32> -> vector<16xf32>
        %parallel_loop3A_266 = arith.constant 5.000000e-01 : f32
        %parallel_loop3A_267 = vector.broadcast %parallel_loop3A_266 : f32 to vector<16xf32>
        %parallel_loop3A_268 = arith.mulf %parallel_loop3A_267, %parallel_loop3A_257 : vector<16xf32>
        %parallel_loop3A_269 = arith.mulf %parallel_loop3A_268, %parallel_loop3A_265 : vector<16xf32>
        %parallel_loop3A_270 = arith.mulf %parallel_loop3A_269, %parallel_loop3A_265 : vector<16xf32>
        %parallel_loop3A_271 = arith.constant 1.500000e+00 : f32
        %parallel_loop3A_272 = vector.broadcast %parallel_loop3A_271 : f32 to vector<16xf32>
        %parallel_loop3A_273 = arith.subf %parallel_loop3A_272, %parallel_loop3A_270 : vector<16xf32>
        %parallel_loop3A_274 = arith.mulf %parallel_loop3A_265, %parallel_loop3A_273 : vector<16xf32>
        %parallel_loop3A_275 = arith.constant 5.000000e-01 : f32
        %parallel_loop3A_276 = vector.broadcast %parallel_loop3A_275 : f32 to vector<16xf32>
        %parallel_loop3A_277 = arith.mulf %parallel_loop3A_276, %parallel_loop3A_257 : vector<16xf32>
        %parallel_loop3A_278 = arith.mulf %parallel_loop3A_277, %parallel_loop3A_274 : vector<16xf32>
        %parallel_loop3A_279 = arith.mulf %parallel_loop3A_278, %parallel_loop3A_274 : vector<16xf32>
        %parallel_loop3A_280 = arith.constant 1.500000e+00 : f32
        %parallel_loop3A_281 = vector.broadcast %parallel_loop3A_280 : f32 to vector<16xf32>
        %parallel_loop3A_282 = arith.subf %parallel_loop3A_281, %parallel_loop3A_279 : vector<16xf32>
        %parallel_loop3A_283 = arith.mulf %parallel_loop3A_274, %parallel_loop3A_282 : vector<16xf32>
        %parallel_loop3A_284 = arith.constant 0.000000e+00 : f32
        %parallel_loop3A_285 = vector.broadcast %parallel_loop3A_284 : f32 to vector<16xf32>
        %parallel_loop3A_286 = arith.subf %parallel_loop3A_285, %parallel_loop3A_249 : vector<16xf32>
        %parallel_loop3A_287 = arith.mulf %parallel_loop3A_286, %parallel_loop3A_283 : vector<16xf32>
        %parallel_loop3A_288 = arith.mulf %parallel_loop3A_115, %parallel_loop3A_283 : vector<16xf32>
        %parallel_loop3A_289 = arith.addf %parallel_loop3A_288, %parallel_loop3A_287 : vector<16xf32>
        %parallel_loop3A_290 = arith.mulf %parallel_loop3A_289, %get3A_5 : vector<16xf32>
        %parallel_loop3A_291 = arith.addf %parallel_loop3A_290, %get3A_13 : vector<16xf32>
        %parallel_loop3A_292 = arith.index_cast %parallel_loop3A_112 : i32 to index
        %parallel_loop3A_293 = arith.constant 0 : index
        %parallel_loop3A_294 = tpu.vector_load %arg10[%parallel_loop3A_292, %parallel_loop3A_293] {strides = array<i32>} : memref<128x64xf32, #tpu.memory_space<vmem>>, vector<16xf32>,
        tpu.vector_store %arg10[%parallel_loop3A_292, %parallel_loop3A_293], %parallel_loop3A_291 {strides = array<i32>} : memref<128x64xf32, #tpu.memory_space<vmem>>, vector<16xf32>,
        %parallel_loop3A_295 = arith.mulf %parallel_loop3A_118, %parallel_loop3A_283 : vector<16xf32>
        %parallel_loop3A_296 = arith.addf %parallel_loop3A_295, %parallel_loop3A_287 : vector<16xf32>
        %parallel_loop3A_297 = arith.mulf %parallel_loop3A_296, %get3A_7 : vector<16xf32>
        %parallel_loop3A_298 = arith.addf %parallel_loop3A_297, %get3A_15 : vector<16xf32>
        %parallel_loop3A_299 = arith.index_cast %parallel_loop3A_112 : i32 to index
        %parallel_loop3A_300 = arith.constant 16 : index
        %parallel_loop3A_301 = tpu.vector_load %arg10[%parallel_loop3A_299, %parallel_loop3A_300] {strides = array<i32>} : memref<128x64xf32, #tpu.memory_space<vmem>>, vector<16xf32>,
        tpu.vector_store %arg10[%parallel_loop3A_299, %parallel_loop3A_300], %parallel_loop3A_298 {strides = array<i32>} : memref<128x64xf32, #tpu.memory_space<vmem>>, vector<16xf32>,
        %parallel_loop3A_302 = arith.mulf %parallel_loop3A_121, %parallel_loop3A_283 : vector<16xf32>
        %parallel_loop3A_303 = arith.addf %parallel_loop3A_302, %parallel_loop3A_287 : vector<16xf32>
        %parallel_loop3A_304 = arith.mulf %parallel_loop3A_303, %get3A_9 : vector<16xf32>
        %parallel_loop3A_305 = arith.addf %parallel_loop3A_304, %get3A_17 : vector<16xf32>
        %parallel_loop3A_306 = arith.index_cast %parallel_loop3A_112 : i32 to index
        %parallel_loop3A_307 = arith.constant 32 : index
        %parallel_loop3A_308 = tpu.vector_load %arg10[%parallel_loop3A_306, %parallel_loop3A_307] {strides = array<i32>} : memref<128x64xf32, #tpu.memory_space<vmem>>, vector<16xf32>,
        tpu.vector_store %arg10[%parallel_loop3A_306, %parallel_loop3A_307], %parallel_loop3A_305 {strides = array<i32>} : memref<128x64xf32, #tpu.memory_space<vmem>>, vector<16xf32>,
        %parallel_loop3A_309 = arith.mulf %parallel_loop3A_124, %parallel_loop3A_283 : vector<16xf32>
        %parallel_loop3A_310 = arith.addf %parallel_loop3A_309, %parallel_loop3A_287 : vector<16xf32>
        %parallel_loop3A_311 = arith.mulf %parallel_loop3A_310, %get3A_11 : vector<16xf32>
        %parallel_loop3A_312 = arith.addf %parallel_loop3A_311, %get3A_19 : vector<16xf32>
        %parallel_loop3A_313 = arith.index_cast %parallel_loop3A_112 : i32 to index
        %parallel_loop3A_314 = arith.constant 48 : index
        %parallel_loop3A_315 = tpu.vector_load %arg10[%parallel_loop3A_313, %parallel_loop3A_314] {strides = array<i32>} : memref<128x64xf32, #tpu.memory_space<vmem>>, vector<16xf32>,
        tpu.vector_store %arg10[%parallel_loop3A_313, %parallel_loop3A_314], %parallel_loop3A_312 {strides = array<i32>} : memref<128x64xf32, #tpu.memory_space<vmem>>, vector<16xf32>,
      } {sc.loop_unroll_factor = 8 : i64, sc.parallel_access}
      %mul3A_66 = arith.constant 128 : i32
      %mul3A_67 = arith.muli %add3A_55, %mul3A_66 : i32
      %add3A_68 = arith.addi %mul3A_2, %mul3A_67 : i32
      %dma_start3A_69 = arith.constant 0 : i32
      %dma_start3A_70 = tpu.memref_slice %arg6[%add3A_68, %dma_start3A_69] : memref<819200x64xf32, #tpu.memory_space<hbm>> -> memref<128x64xf32, #tpu.memory_space<hbm>>
      %dma_start3A_71 = arith.constant 0 : i32
      %dma_start3A_72 = tpu.memref_slice %arg6[%add3A_68, %dma_start3A_71] : memref<819200x64xf32, #tpu.memory_space<hbm>> -> memref<128x64xf32, #tpu.memory_space<hbm>>
      tpu.enqueue_dma source(%arg10 : memref<128x64xf32, #tpu.memory_space<vmem>>) target(%dma_start3A_72 : memref<128x64xf32, #tpu.memory_space<hbm>>) target_semaphore(%arg16 : memref<!tpu.dma_semaphore, #tpu.memory_space<semaphore_mem>>)
      %add3A_73 = arith.constant 2 : i32
      %add3A_74 = arith.addi %add3A_55, %add3A_73 : i32
      %lt3A = arith.constant 200 : i32
      %lt3A_75 = arith.cmpi slt, %add3A_74, %lt3A : i32
      %convert_element_type3A_76 = arith.extui %lt3A_75 : i1 to i32
      %cond3A_77 = arith.constant 0 : i32
      %cond3A_78 = arith.cmpi ne, %convert_element_type3A_76, %cond3A_77 : i32
      scf.if %cond3A_78 {
        %add3A_112 = arith.constant 2 : i32
        %add3A_113 = arith.addi %add3A_55, %add3A_112 : i32
        %dma_start3A_114 = arith.constant 0 : i32
        %dma_start3A_115 = tpu.memref_slice %arg7[%add3A_113, %dma_start3A_114] : memref<200x128xi32, #tpu.memory_space<vmem>> -> memref<1x128xi32, #tpu.memory_space<vmem>>
        %dma_start3A_116 = tpu.memref_squeeze %dma_start3A_115 : memref<1x128xi32, #tpu.memory_space<vmem>> -> memref<128xi32, #tpu.memory_space<vmem>>
        %dma_start3A_117 = arith.constant 0 : i32
        %dma_start3A_118 = arith.constant 0 : i32
        %dma_start3A_119 = tpu.memref_slice %arg3[%dma_start3A_117, %dma_start3A_118] : memref<1000000x128xf32, #tpu.memory_space<hbm>> -> memref<1000000x128xf32, #tpu.memory_space<hbm>>
        tpu.enqueue_indirect_dma source(%dma_start3A_119 : memref<1000000x128xf32, #tpu.memory_space<hbm>>) target(%arg8 : memref<128x128xf32, #tpu.memory_space<vmem>>) offsets(%dma_start3A_116 : memref<128xi32, #tpu.memory_space<vmem>>) semaphore(%arg14 : memref<!tpu.dma_semaphore, #tpu.memory_space<semaphore_mem>>)
      } else {
      }
      %mul3A_79 = arith.constant 2 : i32
      %mul3A_80 = arith.muli %scan3A_50, %mul3A_79 : i32
      %add3A_81 = arith.constant 1 : i32
      %add3A_82 = arith.addi %mul3A_80, %add3A_81 : i32
      %ge3A_83 = arith.constant 2 : i32
      %ge3A_84 = arith.cmpi sge, %add3A_82, %ge3A_83 : i32
      %convert_element_type3A_85 = arith.extui %ge3A_84 : i1 to i32
      %cond3A_86 = arith.constant 0 : i32
      %cond3A_87 = arith.cmpi ne, %convert_element_type3A_85, %cond3A_86 : i32
      scf.if %cond3A_87 {
        %sub3A = arith.constant 2 : i32
        %sub3A_112 = arith.subi %add3A_82, %sub3A : i32
        %mul3A_113 = arith.constant 128 : i32
        %mul3A_114 = arith.muli %sub3A_112, %mul3A_113 : i32
        %add3A_115 = arith.addi %mul3A_2, %mul3A_114 : i32
        %dma_wait3A_116 = arith.constant 0 : i32
        %dma_wait3A_117 = tpu.memref_slice %arg6[%add3A_115, %dma_wait3A_116] : memref<819200x64xf32, #tpu.memory_space<hbm>> -> memref<128x64xf32, #tpu.memory_space<hbm>>
        %dma_wait3A_118 = arith.constant 0 : i32
        %dma_wait3A_119 = tpu.memref_slice %arg6[%add3A_115, %dma_wait3A_118] : memref<819200x64xf32, #tpu.memory_space<hbm>> -> memref<128x64xf32, #tpu.memory_space<hbm>>
        tpu.wait_dma2 semaphore(%arg17 : memref<!tpu.dma_semaphore, #tpu.memory_space<semaphore_mem>>) src(%arg11 : memref<128x64xf32, #tpu.memory_space<vmem>>) dst(%dma_wait3A_119 : memref<128x64xf32, #tpu.memory_space<hbm>>)
      } else {
      }
      %dma_wait3A_88 = arith.constant 0 : i32
      %dma_wait3A_89 = tpu.memref_slice %arg7[%add3A_82, %dma_wait3A_88] : memref<200x128xi32, #tpu.memory_space<vmem>> -> memref<1x128xi32, #tpu.memory_space<vmem>>
      %dma_wait3A_90 = tpu.memref_squeeze %dma_wait3A_89 : memref<1x128xi32, #tpu.memory_space<vmem>> -> memref<128xi32, #tpu.memory_space<vmem>>
      %dma_wait3A_91 = arith.constant 0 : i32
      %dma_wait3A_92 = arith.constant 0 : i32
      %dma_wait3A_93 = tpu.memref_slice %arg3[%dma_wait3A_91, %dma_wait3A_92] : memref<1000000x128xf32, #tpu.memory_space<hbm>> -> memref<1000000x128xf32, #tpu.memory_space<hbm>>
      tpu.wait_indirect_dma semaphore(%arg15 : memref<!tpu.dma_semaphore, #tpu.memory_space<semaphore_mem>>) src(%dma_wait3A_93 : memref<1000000x128xf32, #tpu.memory_space<hbm>>) dst(%arg9 : memref<128x128xf32, #tpu.memory_space<vmem>>)
      %parallel_loop3A_94 = arith.constant 0 : i32
      %parallel_loop3A_95 = arith.constant 128 : i32
      %parallel_loop3A_96 = arith.constant 1 : i32
      scf.for %parallel_loop3A_112 = %parallel_loop3A_94 to %parallel_loop3A_95 step %parallel_loop3A_96  : i32 {
        %parallel_loop3A_113 = arith.index_cast %parallel_loop3A_112 : i32 to index
        %parallel_loop3A_114 = arith.constant 0 : index
        %parallel_loop3A_115 = tpu.vector_load %arg9[%parallel_loop3A_113, %parallel_loop3A_114] {strides = array<i32>} : memref<128x128xf32, #tpu.memory_space<vmem>>, vector<16xf32>,
        %parallel_loop3A_116 = arith.index_cast %parallel_loop3A_112 : i32 to index
        %parallel_loop3A_117 = arith.constant 16 : index
        %parallel_loop3A_118 = tpu.vector_load %arg9[%parallel_loop3A_116, %parallel_loop3A_117] {strides = array<i32>} : memref<128x128xf32, #tpu.memory_space<vmem>>, vector<16xf32>,
        %parallel_loop3A_119 = arith.index_cast %parallel_loop3A_112 : i32 to index
        %parallel_loop3A_120 = arith.constant 32 : index
        %parallel_loop3A_121 = tpu.vector_load %arg9[%parallel_loop3A_119, %parallel_loop3A_120] {strides = array<i32>} : memref<128x128xf32, #tpu.memory_space<vmem>>, vector<16xf32>,
        %parallel_loop3A_122 = arith.index_cast %parallel_loop3A_112 : i32 to index
        %parallel_loop3A_123 = arith.constant 48 : index
        %parallel_loop3A_124 = tpu.vector_load %arg9[%parallel_loop3A_122, %parallel_loop3A_123] {strides = array<i32>} : memref<128x128xf32, #tpu.memory_space<vmem>>, vector<16xf32>,
        %parallel_loop3A_125 = arith.addf %parallel_loop3A_115, %parallel_loop3A_118 : vector<16xf32>
        %parallel_loop3A_126 = arith.addf %parallel_loop3A_121, %parallel_loop3A_124 : vector<16xf32>
        %parallel_loop3A_127 = arith.addf %parallel_loop3A_125, %parallel_loop3A_126 : vector<16xf32>
        %parallel_loop3A_128 = arith.mulf %parallel_loop3A_115, %parallel_loop3A_115 : vector<16xf32>
        %parallel_loop3A_129 = arith.mulf %parallel_loop3A_118, %parallel_loop3A_118 : vector<16xf32>
        %parallel_loop3A_130 = arith.addf %parallel_loop3A_128, %parallel_loop3A_129 : vector<16xf32>
        %parallel_loop3A_131 = arith.mulf %parallel_loop3A_121, %parallel_loop3A_121 : vector<16xf32>
        %parallel_loop3A_132 = arith.mulf %parallel_loop3A_124, %parallel_loop3A_124 : vector<16xf32>
        %parallel_loop3A_133 = arith.addf %parallel_loop3A_131, %parallel_loop3A_132 : vector<16xf32>
        %parallel_loop3A_134 = arith.addf %parallel_loop3A_130, %parallel_loop3A_133 : vector<16xf32>
        %parallel_loop3A_135 = arith.constant 8 : i32
        %parallel_loop3A_136 = vector.broadcast %parallel_loop3A_135 : i32 to vector<16xi32>
        %parallel_loop3A_137 = arith.xori %iota3A, %parallel_loop3A_136 : vector<16xi32>
        %parallel_loop3A_138 = arith.constant 0 : i32
        %parallel_loop3A_139 = vector.broadcast %parallel_loop3A_138 : i32 to vector<16xi32>
        %parallel_loop3A_140 = arith.cmpi slt, %parallel_loop3A_137, %parallel_loop3A_139 : vector<16xi32>
        %parallel_loop3A_141 = arith.constant 16 : i32
        %parallel_loop3A_142 = vector.broadcast %parallel_loop3A_141 : i32 to vector<16xi32>
        %parallel_loop3A_143 = arith.addi %parallel_loop3A_137, %parallel_loop3A_142 : vector<16xi32>
        %parallel_loop3A_144 = arith.select %parallel_loop3A_140, %parallel_loop3A_143, %parallel_loop3A_137 : vector<16xi1>, vector<16xi32>
        %parallel_loop3A_145 = vector.shape_cast %parallel_loop3A_144 : vector<16xi32> to vector<16x1xi32>
        %parallel_loop3A_146 = vector.shape_cast %parallel_loop3A_145 : vector<16x1xi32> to vector<16xi32>
        %parallel_loop3A_147 = tpu.dynamic_gather %parallel_loop3A_127[%parallel_loop3A_146] in [0] : vector<16xf32>, vector<16xi32> -> vector<16xf32>
        %parallel_loop3A_148 = arith.addf %parallel_loop3A_127, %parallel_loop3A_147 : vector<16xf32>
        %parallel_loop3A_149 = arith.constant 4 : i32
        %parallel_loop3A_150 = vector.broadcast %parallel_loop3A_149 : i32 to vector<16xi32>
        %parallel_loop3A_151 = arith.xori %iota3A, %parallel_loop3A_150 : vector<16xi32>
        %parallel_loop3A_152 = arith.constant 0 : i32
        %parallel_loop3A_153 = vector.broadcast %parallel_loop3A_152 : i32 to vector<16xi32>
        %parallel_loop3A_154 = arith.cmpi slt, %parallel_loop3A_151, %parallel_loop3A_153 : vector<16xi32>
        %parallel_loop3A_155 = arith.constant 16 : i32
        %parallel_loop3A_156 = vector.broadcast %parallel_loop3A_155 : i32 to vector<16xi32>
        %parallel_loop3A_157 = arith.addi %parallel_loop3A_151, %parallel_loop3A_156 : vector<16xi32>
        %parallel_loop3A_158 = arith.select %parallel_loop3A_154, %parallel_loop3A_157, %parallel_loop3A_151 : vector<16xi1>, vector<16xi32>
        %parallel_loop3A_159 = vector.shape_cast %parallel_loop3A_158 : vector<16xi32> to vector<16x1xi32>
        %parallel_loop3A_160 = vector.shape_cast %parallel_loop3A_159 : vector<16x1xi32> to vector<16xi32>
        %parallel_loop3A_161 = tpu.dynamic_gather %parallel_loop3A_148[%parallel_loop3A_160] in [0] : vector<16xf32>, vector<16xi32> -> vector<16xf32>
        %parallel_loop3A_162 = arith.addf %parallel_loop3A_148, %parallel_loop3A_161 : vector<16xf32>
        %parallel_loop3A_163 = arith.constant 2 : i32
        %parallel_loop3A_164 = vector.broadcast %parallel_loop3A_163 : i32 to vector<16xi32>
        %parallel_loop3A_165 = arith.xori %iota3A, %parallel_loop3A_164 : vector<16xi32>
        %parallel_loop3A_166 = arith.constant 0 : i32
        %parallel_loop3A_167 = vector.broadcast %parallel_loop3A_166 : i32 to vector<16xi32>
        %parallel_loop3A_168 = arith.cmpi slt, %parallel_loop3A_165, %parallel_loop3A_167 : vector<16xi32>
        %parallel_loop3A_169 = arith.constant 16 : i32
        %parallel_loop3A_170 = vector.broadcast %parallel_loop3A_169 : i32 to vector<16xi32>
        %parallel_loop3A_171 = arith.addi %parallel_loop3A_165, %parallel_loop3A_170 : vector<16xi32>
        %parallel_loop3A_172 = arith.select %parallel_loop3A_168, %parallel_loop3A_171, %parallel_loop3A_165 : vector<16xi1>, vector<16xi32>
        %parallel_loop3A_173 = vector.shape_cast %parallel_loop3A_172 : vector<16xi32> to vector<16x1xi32>
        %parallel_loop3A_174 = vector.shape_cast %parallel_loop3A_173 : vector<16x1xi32> to vector<16xi32>
        %parallel_loop3A_175 = tpu.dynamic_gather %parallel_loop3A_162[%parallel_loop3A_174] in [0] : vector<16xf32>, vector<16xi32> -> vector<16xf32>
        %parallel_loop3A_176 = arith.addf %parallel_loop3A_162, %parallel_loop3A_175 : vector<16xf32>
        %parallel_loop3A_177 = arith.constant 1 : i32
        %parallel_loop3A_178 = vector.broadcast %parallel_loop3A_177 : i32 to vector<16xi32>
        %parallel_loop3A_179 = arith.xori %iota3A, %parallel_loop3A_178 : vector<16xi32>
        %parallel_loop3A_180 = arith.constant 0 : i32
        %parallel_loop3A_181 = vector.broadcast %parallel_loop3A_180 : i32 to vector<16xi32>
        %parallel_loop3A_182 = arith.cmpi slt, %parallel_loop3A_179, %parallel_loop3A_181 : vector<16xi32>
        %parallel_loop3A_183 = arith.constant 16 : i32
        %parallel_loop3A_184 = vector.broadcast %parallel_loop3A_183 : i32 to vector<16xi32>
        %parallel_loop3A_185 = arith.addi %parallel_loop3A_179, %parallel_loop3A_184 : vector<16xi32>
        %parallel_loop3A_186 = arith.select %parallel_loop3A_182, %parallel_loop3A_185, %parallel_loop3A_179 : vector<16xi1>, vector<16xi32>
        %parallel_loop3A_187 = vector.shape_cast %parallel_loop3A_186 : vector<16xi32> to vector<16x1xi32>
        %parallel_loop3A_188 = vector.shape_cast %parallel_loop3A_187 : vector<16x1xi32> to vector<16xi32>
        %parallel_loop3A_189 = tpu.dynamic_gather %parallel_loop3A_176[%parallel_loop3A_188] in [0] : vector<16xf32>, vector<16xi32> -> vector<16xf32>
        %parallel_loop3A_190 = arith.addf %parallel_loop3A_176, %parallel_loop3A_189 : vector<16xf32>
        %parallel_loop3A_191 = arith.constant 8 : i32
        %parallel_loop3A_192 = vector.broadcast %parallel_loop3A_191 : i32 to vector<16xi32>
        %parallel_loop3A_193 = arith.xori %iota3A, %parallel_loop3A_192 : vector<16xi32>
        %parallel_loop3A_194 = arith.constant 0 : i32
        %parallel_loop3A_195 = vector.broadcast %parallel_loop3A_194 : i32 to vector<16xi32>
        %parallel_loop3A_196 = arith.cmpi slt, %parallel_loop3A_193, %parallel_loop3A_195 : vector<16xi32>
        %parallel_loop3A_197 = arith.constant 16 : i32
        %parallel_loop3A_198 = vector.broadcast %parallel_loop3A_197 : i32 to vector<16xi32>
        %parallel_loop3A_199 = arith.addi %parallel_loop3A_193, %parallel_loop3A_198 : vector<16xi32>
        %parallel_loop3A_200 = arith.select %parallel_loop3A_196, %parallel_loop3A_199, %parallel_loop3A_193 : vector<16xi1>, vector<16xi32>
        %parallel_loop3A_201 = vector.shape_cast %parallel_loop3A_200 : vector<16xi32> to vector<16x1xi32>
        %parallel_loop3A_202 = vector.shape_cast %parallel_loop3A_201 : vector<16x1xi32> to vector<16xi32>
        %parallel_loop3A_203 = tpu.dynamic_gather %parallel_loop3A_134[%parallel_loop3A_202] in [0] : vector<16xf32>, vector<16xi32> -> vector<16xf32>
        %parallel_loop3A_204 = arith.addf %parallel_loop3A_134, %parallel_loop3A_203 : vector<16xf32>
        %parallel_loop3A_205 = arith.constant 4 : i32
        %parallel_loop3A_206 = vector.broadcast %parallel_loop3A_205 : i32 to vector<16xi32>
        %parallel_loop3A_207 = arith.xori %iota3A, %parallel_loop3A_206 : vector<16xi32>
        %parallel_loop3A_208 = arith.constant 0 : i32
        %parallel_loop3A_209 = vector.broadcast %parallel_loop3A_208 : i32 to vector<16xi32>
        %parallel_loop3A_210 = arith.cmpi slt, %parallel_loop3A_207, %parallel_loop3A_209 : vector<16xi32>
        %parallel_loop3A_211 = arith.constant 16 : i32
        %parallel_loop3A_212 = vector.broadcast %parallel_loop3A_211 : i32 to vector<16xi32>
        %parallel_loop3A_213 = arith.addi %parallel_loop3A_207, %parallel_loop3A_212 : vector<16xi32>
        %parallel_loop3A_214 = arith.select %parallel_loop3A_210, %parallel_loop3A_213, %parallel_loop3A_207 : vector<16xi1>, vector<16xi32>
        %parallel_loop3A_215 = vector.shape_cast %parallel_loop3A_214 : vector<16xi32> to vector<16x1xi32>
        %parallel_loop3A_216 = vector.shape_cast %parallel_loop3A_215 : vector<16x1xi32> to vector<16xi32>
        %parallel_loop3A_217 = tpu.dynamic_gather %parallel_loop3A_204[%parallel_loop3A_216] in [0] : vector<16xf32>, vector<16xi32> -> vector<16xf32>
        %parallel_loop3A_218 = arith.addf %parallel_loop3A_204, %parallel_loop3A_217 : vector<16xf32>
        %parallel_loop3A_219 = arith.constant 2 : i32
        %parallel_loop3A_220 = vector.broadcast %parallel_loop3A_219 : i32 to vector<16xi32>
        %parallel_loop3A_221 = arith.xori %iota3A, %parallel_loop3A_220 : vector<16xi32>
        %parallel_loop3A_222 = arith.constant 0 : i32
        %parallel_loop3A_223 = vector.broadcast %parallel_loop3A_222 : i32 to vector<16xi32>
        %parallel_loop3A_224 = arith.cmpi slt, %parallel_loop3A_221, %parallel_loop3A_223 : vector<16xi32>
        %parallel_loop3A_225 = arith.constant 16 : i32
        %parallel_loop3A_226 = vector.broadcast %parallel_loop3A_225 : i32 to vector<16xi32>
        %parallel_loop3A_227 = arith.addi %parallel_loop3A_221, %parallel_loop3A_226 : vector<16xi32>
        %parallel_loop3A_228 = arith.select %parallel_loop3A_224, %parallel_loop3A_227, %parallel_loop3A_221 : vector<16xi1>, vector<16xi32>
        %parallel_loop3A_229 = vector.shape_cast %parallel_loop3A_228 : vector<16xi32> to vector<16x1xi32>
        %parallel_loop3A_230 = vector.shape_cast %parallel_loop3A_229 : vector<16x1xi32> to vector<16xi32>
        %parallel_loop3A_231 = tpu.dynamic_gather %parallel_loop3A_218[%parallel_loop3A_230] in [0] : vector<16xf32>, vector<16xi32> -> vector<16xf32>
        %parallel_loop3A_232 = arith.addf %parallel_loop3A_218, %parallel_loop3A_231 : vector<16xf32>
        %parallel_loop3A_233 = arith.constant 1 : i32
        %parallel_loop3A_234 = vector.broadcast %parallel_loop3A_233 : i32 to vector<16xi32>
        %parallel_loop3A_235 = arith.xori %iota3A, %parallel_loop3A_234 : vector<16xi32>
        %parallel_loop3A_236 = arith.constant 0 : i32
        %parallel_loop3A_237 = vector.broadcast %parallel_loop3A_236 : i32 to vector<16xi32>
        %parallel_loop3A_238 = arith.cmpi slt, %parallel_loop3A_235, %parallel_loop3A_237 : vector<16xi32>
        %parallel_loop3A_239 = arith.constant 16 : i32
        %parallel_loop3A_240 = vector.broadcast %parallel_loop3A_239 : i32 to vector<16xi32>
        %parallel_loop3A_241 = arith.addi %parallel_loop3A_235, %parallel_loop3A_240 : vector<16xi32>
        %parallel_loop3A_242 = arith.select %parallel_loop3A_238, %parallel_loop3A_241, %parallel_loop3A_235 : vector<16xi1>, vector<16xi32>
        %parallel_loop3A_243 = vector.shape_cast %parallel_loop3A_242 : vector<16xi32> to vector<16x1xi32>
        %parallel_loop3A_244 = vector.shape_cast %parallel_loop3A_243 : vector<16x1xi32> to vector<16xi32>
        %parallel_loop3A_245 = tpu.dynamic_gather %parallel_loop3A_232[%parallel_loop3A_244] in [0] : vector<16xf32>, vector<16xi32> -> vector<16xf32>
        %parallel_loop3A_246 = arith.addf %parallel_loop3A_232, %parallel_loop3A_245 : vector<16xf32>
        %parallel_loop3A_247 = arith.constant 1.562500e-02 : f32
        %parallel_loop3A_248 = vector.broadcast %parallel_loop3A_247 : f32 to vector<16xf32>
        %parallel_loop3A_249 = arith.mulf %parallel_loop3A_190, %parallel_loop3A_248 : vector<16xf32>
        %parallel_loop3A_250 = arith.constant 1.562500e-02 : f32
        %parallel_loop3A_251 = vector.broadcast %parallel_loop3A_250 : f32 to vector<16xf32>
        %parallel_loop3A_252 = arith.mulf %parallel_loop3A_246, %parallel_loop3A_251 : vector<16xf32>
        %parallel_loop3A_253 = arith.mulf %parallel_loop3A_249, %parallel_loop3A_249 : vector<16xf32>
        %parallel_loop3A_254 = arith.subf %parallel_loop3A_252, %parallel_loop3A_253 : vector<16xf32>
        %parallel_loop3A_255 = arith.constant 9.99999974E-6 : f32
        %parallel_loop3A_256 = vector.broadcast %parallel_loop3A_255 : f32 to vector<16xf32>
        %parallel_loop3A_257 = arith.addf %parallel_loop3A_254, %parallel_loop3A_256 : vector<16xf32>
        %parallel_loop3A_258 = tpu.bitcast %parallel_loop3A_257 : vector<16xf32> -> vector<16xi32>
        %parallel_loop3A_259 = arith.constant 1 : i32
        %parallel_loop3A_260 = vector.broadcast %parallel_loop3A_259 : i32 to vector<16xi32>
        %parallel_loop3A_261 = arith.shrsi %parallel_loop3A_258, %parallel_loop3A_260 : vector<16xi32>
        %parallel_loop3A_262 = arith.constant 1597463007 : i32
        %parallel_loop3A_263 = vector.broadcast %parallel_loop3A_262 : i32 to vector<16xi32>
        %parallel_loop3A_264 = arith.subi %parallel_loop3A_263, %parallel_loop3A_261 : vector<16xi32>
        %parallel_loop3A_265 = tpu.bitcast %parallel_loop3A_264 : vector<16xi32> -> vector<16xf32>
        %parallel_loop3A_266 = arith.constant 5.000000e-01 : f32
        %parallel_loop3A_267 = vector.broadcast %parallel_loop3A_266 : f32 to vector<16xf32>
        %parallel_loop3A_268 = arith.mulf %parallel_loop3A_267, %parallel_loop3A_257 : vector<16xf32>
        %parallel_loop3A_269 = arith.mulf %parallel_loop3A_268, %parallel_loop3A_265 : vector<16xf32>
        %parallel_loop3A_270 = arith.mulf %parallel_loop3A_269, %parallel_loop3A_265 : vector<16xf32>
        %parallel_loop3A_271 = arith.constant 1.500000e+00 : f32
        %parallel_loop3A_272 = vector.broadcast %parallel_loop3A_271 : f32 to vector<16xf32>
        %parallel_loop3A_273 = arith.subf %parallel_loop3A_272, %parallel_loop3A_270 : vector<16xf32>
        %parallel_loop3A_274 = arith.mulf %parallel_loop3A_265, %parallel_loop3A_273 : vector<16xf32>
        %parallel_loop3A_275 = arith.constant 5.000000e-01 : f32
        %parallel_loop3A_276 = vector.broadcast %parallel_loop3A_275 : f32 to vector<16xf32>
        %parallel_loop3A_277 = arith.mulf %parallel_loop3A_276, %parallel_loop3A_257 : vector<16xf32>
        %parallel_loop3A_278 = arith.mulf %parallel_loop3A_277, %parallel_loop3A_274 : vector<16xf32>
        %parallel_loop3A_279 = arith.mulf %parallel_loop3A_278, %parallel_loop3A_274 : vector<16xf32>
        %parallel_loop3A_280 = arith.constant 1.500000e+00 : f32
        %parallel_loop3A_281 = vector.broadcast %parallel_loop3A_280 : f32 to vector<16xf32>
        %parallel_loop3A_282 = arith.subf %parallel_loop3A_281, %parallel_loop3A_279 : vector<16xf32>
        %parallel_loop3A_283 = arith.mulf %parallel_loop3A_274, %parallel_loop3A_282 : vector<16xf32>
        %parallel_loop3A_284 = arith.constant 0.000000e+00 : f32
        %parallel_loop3A_285 = vector.broadcast %parallel_loop3A_284 : f32 to vector<16xf32>
        %parallel_loop3A_286 = arith.subf %parallel_loop3A_285, %parallel_loop3A_249 : vector<16xf32>
        %parallel_loop3A_287 = arith.mulf %parallel_loop3A_286, %parallel_loop3A_283 : vector<16xf32>
        %parallel_loop3A_288 = arith.mulf %parallel_loop3A_115, %parallel_loop3A_283 : vector<16xf32>
        %parallel_loop3A_289 = arith.addf %parallel_loop3A_288, %parallel_loop3A_287 : vector<16xf32>
        %parallel_loop3A_290 = arith.mulf %parallel_loop3A_289, %get3A_5 : vector<16xf32>
        %parallel_loop3A_291 = arith.addf %parallel_loop3A_290, %get3A_13 : vector<16xf32>
        %parallel_loop3A_292 = arith.index_cast %parallel_loop3A_112 : i32 to index
        %parallel_loop3A_293 = arith.constant 0 : index
        %parallel_loop3A_294 = tpu.vector_load %arg11[%parallel_loop3A_292, %parallel_loop3A_293] {strides = array<i32>} : memref<128x64xf32, #tpu.memory_space<vmem>>, vector<16xf32>,
        tpu.vector_store %arg11[%parallel_loop3A_292, %parallel_loop3A_293], %parallel_loop3A_291 {strides = array<i32>} : memref<128x64xf32, #tpu.memory_space<vmem>>, vector<16xf32>,
        %parallel_loop3A_295 = arith.mulf %parallel_loop3A_118, %parallel_loop3A_283 : vector<16xf32>
        %parallel_loop3A_296 = arith.addf %parallel_loop3A_295, %parallel_loop3A_287 : vector<16xf32>
        %parallel_loop3A_297 = arith.mulf %parallel_loop3A_296, %get3A_7 : vector<16xf32>
        %parallel_loop3A_298 = arith.addf %parallel_loop3A_297, %get3A_15 : vector<16xf32>
        %parallel_loop3A_299 = arith.index_cast %parallel_loop3A_112 : i32 to index
        %parallel_loop3A_300 = arith.constant 16 : index
        %parallel_loop3A_301 = tpu.vector_load %arg11[%parallel_loop3A_299, %parallel_loop3A_300] {strides = array<i32>} : memref<128x64xf32, #tpu.memory_space<vmem>>, vector<16xf32>,
        tpu.vector_store %arg11[%parallel_loop3A_299, %parallel_loop3A_300], %parallel_loop3A_298 {strides = array<i32>} : memref<128x64xf32, #tpu.memory_space<vmem>>, vector<16xf32>,
        %parallel_loop3A_302 = arith.mulf %parallel_loop3A_121, %parallel_loop3A_283 : vector<16xf32>
        %parallel_loop3A_303 = arith.addf %parallel_loop3A_302, %parallel_loop3A_287 : vector<16xf32>
        %parallel_loop3A_304 = arith.mulf %parallel_loop3A_303, %get3A_9 : vector<16xf32>
        %parallel_loop3A_305 = arith.addf %parallel_loop3A_304, %get3A_17 : vector<16xf32>
        %parallel_loop3A_306 = arith.index_cast %parallel_loop3A_112 : i32 to index
        %parallel_loop3A_307 = arith.constant 32 : index
        %parallel_loop3A_308 = tpu.vector_load %arg11[%parallel_loop3A_306, %parallel_loop3A_307] {strides = array<i32>} : memref<128x64xf32, #tpu.memory_space<vmem>>, vector<16xf32>,
        tpu.vector_store %arg11[%parallel_loop3A_306, %parallel_loop3A_307], %parallel_loop3A_305 {strides = array<i32>} : memref<128x64xf32, #tpu.memory_space<vmem>>, vector<16xf32>,
        %parallel_loop3A_309 = arith.mulf %parallel_loop3A_124, %parallel_loop3A_283 : vector<16xf32>
        %parallel_loop3A_310 = arith.addf %parallel_loop3A_309, %parallel_loop3A_287 : vector<16xf32>
        %parallel_loop3A_311 = arith.mulf %parallel_loop3A_310, %get3A_11 : vector<16xf32>
        %parallel_loop3A_312 = arith.addf %parallel_loop3A_311, %get3A_19 : vector<16xf32>
        %parallel_loop3A_313 = arith.index_cast %parallel_loop3A_112 : i32 to index
        %parallel_loop3A_314 = arith.constant 48 : index
        %parallel_loop3A_315 = tpu.vector_load %arg11[%parallel_loop3A_313, %parallel_loop3A_314] {strides = array<i32>} : memref<128x64xf32, #tpu.memory_space<vmem>>, vector<16xf32>,
        tpu.vector_store %arg11[%parallel_loop3A_313, %parallel_loop3A_314], %parallel_loop3A_312 {strides = array<i32>} : memref<128x64xf32, #tpu.memory_space<vmem>>, vector<16xf32>,
      } {sc.loop_unroll_factor = 8 : i64, sc.parallel_access}
      %mul3A_97 = arith.constant 128 : i32
      %mul3A_98 = arith.muli %add3A_82, %mul3A_97 : i32
      %add3A_99 = arith.addi %mul3A_2, %mul3A_98 : i32
      %dma_start3A_100 = arith.constant 0 : i32
      %dma_start3A_101 = tpu.memref_slice %arg6[%add3A_99, %dma_start3A_100] : memref<819200x64xf32, #tpu.memory_space<hbm>> -> memref<128x64xf32, #tpu.memory_space<hbm>>
      %dma_start3A_102 = arith.constant 0 : i32
      %dma_start3A_103 = tpu.memref_slice %arg6[%add3A_99, %dma_start3A_102] : memref<819200x64xf32, #tpu.memory_space<hbm>> -> memref<128x64xf32, #tpu.memory_space<hbm>>
      tpu.enqueue_dma source(%arg11 : memref<128x64xf32, #tpu.memory_space<vmem>>) target(%dma_start3A_103 : memref<128x64xf32, #tpu.memory_space<hbm>>) target_semaphore(%arg17 : memref<!tpu.dma_semaphore, #tpu.memory_space<semaphore_mem>>)
      %add3A_104 = arith.constant 2 : i32
      %add3A_105 = arith.addi %add3A_82, %add3A_104 : i32
      %lt3A_106 = arith.constant 200 : i32
      %lt3A_107 = arith.cmpi slt, %add3A_105, %lt3A_106 : i32
      %convert_element_type3A_108 = arith.extui %lt3A_107 : i1 to i32
      %cond3A_109 = arith.constant 0 : i32
      %cond3A_110 = arith.cmpi ne, %convert_element_type3A_108, %cond3A_109 : i32
      scf.if %cond3A_110 {
        %add3A_112 = arith.constant 2 : i32
        %add3A_113 = arith.addi %add3A_82, %add3A_112 : i32
        %dma_start3A_114 = arith.constant 0 : i32
        %dma_start3A_115 = tpu.memref_slice %arg7[%add3A_113, %dma_start3A_114] : memref<200x128xi32, #tpu.memory_space<vmem>> -> memref<1x128xi32, #tpu.memory_space<vmem>>
        %dma_start3A_116 = tpu.memref_squeeze %dma_start3A_115 : memref<1x128xi32, #tpu.memory_space<vmem>> -> memref<128xi32, #tpu.memory_space<vmem>>
        %dma_start3A_117 = arith.constant 0 : i32
        %dma_start3A_118 = arith.constant 0 : i32
        %dma_start3A_119 = tpu.memref_slice %arg3[%dma_start3A_117, %dma_start3A_118] : memref<1000000x128xf32, #tpu.memory_space<hbm>> -> memref<1000000x128xf32, #tpu.memory_space<hbm>>
        tpu.enqueue_indirect_dma source(%dma_start3A_119 : memref<1000000x128xf32, #tpu.memory_space<hbm>>) target(%arg9 : memref<128x128xf32, #tpu.memory_space<vmem>>) offsets(%dma_start3A_116 : memref<128xi32, #tpu.memory_space<vmem>>) semaphore(%arg15 : memref<!tpu.dma_semaphore, #tpu.memory_space<semaphore_mem>>)
      } else {
      }
      %scan3A_111 = arith.constant 0 : i32
      scf.yield %scan3A_111 : i32
    }
    %scan3A_38 = arith.constant 100 : i32
    %add3A_39 = arith.constant 25344 : i32
    %add3A_40 = arith.addi %mul3A_2, %add3A_39 : i32
    %dma_wait3A = arith.constant 0 : i32
    %dma_wait3A_41 = tpu.memref_slice %arg6[%add3A_40, %dma_wait3A] : memref<819200x64xf32, #tpu.memory_space<hbm>> -> memref<128x64xf32, #tpu.memory_space<hbm>>
    %dma_wait3A_42 = arith.constant 0 : i32
    %dma_wait3A_43 = tpu.memref_slice %arg6[%add3A_40, %dma_wait3A_42] : memref<819200x64xf32, #tpu.memory_space<hbm>> -> memref<128x64xf32, #tpu.memory_space<hbm>>
    tpu.wait_dma2 semaphore(%arg16 : memref<!tpu.dma_semaphore, #tpu.memory_space<semaphore_mem>>) src(%arg10 : memref<128x64xf32, #tpu.memory_space<vmem>>) dst(%dma_wait3A_43 : memref<128x64xf32, #tpu.memory_space<hbm>>)
    %add3A_44 = arith.constant 25472 : i32
    %add3A_45 = arith.addi %mul3A_2, %add3A_44 : i32
    %dma_wait3A_46 = arith.constant 0 : i32
    %dma_wait3A_47 = tpu.memref_slice %arg6[%add3A_45, %dma_wait3A_46] : memref<819200x64xf32, #tpu.memory_space<hbm>> -> memref<128x64xf32, #tpu.memory_space<hbm>>
    %dma_wait3A_48 = arith.constant 0 : i32
    %dma_wait3A_49 = tpu.memref_slice %arg6[%add3A_45, %dma_wait3A_48] : memref<819200x64xf32, #tpu.memory_space<hbm>> -> memref<128x64xf32, #tpu.memory_space<hbm>>
    tpu.wait_dma2 semaphore(%arg17 : memref<!tpu.dma_semaphore, #tpu.memory_space<semaphore_mem>>) src(%arg11 : memref<128x64xf32, #tpu.memory_space<vmem>>) dst(%dma_wait3A_49 : memref<128x64xf32, #tpu.memory_space<hbm>>)
    return
  }
}

</mosaic_0001>

<sc_bundles>
// kernel: kernel.3.cloned.1.call-start
scs
__scs_entry_jumppad:
0x0: {  	(pc) =	sbr.rel $0x88, $3  }
0x1: {  	(tag) =	ssettag $0x0;
	lr =	simm.s32 $0x1  }
0x2: {  	[smem:$0x3F9D] =	sst lr;
	_ =	strace $0xD0000000  }
0x3: {  	_ = 	snop  }
0x4: {  	_ = 	snop  }
0x5: {  	_ = 	snop  }
0x6: {  	_ = 	snop  }
0x7: {  	_ = 	snop  }
__scs_overlays_trampoline_lowered:
0x8: {  	[smem:$0x3FAC] =	sst s0  }
0x9: {  	[smem:$0x3FAD] =	sst s1  }
0xa: {  	[smem:$0x3FAE] =	sst s2  }
0xb: {  	[smem:$0x3FAF] =	sst s3  }
0xc: {  	[smem:$0x3FB0] =	sst s4  }
0xd: {  	[smem:$0x3FB1] =	sst s5  }
0xe: {  	[smem:$0x3FB2] =	sst s6  }
0xf: {  	[smem:$0x3FB3] =	sst s7  }
0x10: {  	[smem:$0x3FB4] =	sst s8  }
0x11: {  	[smem:$0x3FB5] =	sst s9;
	s0 =	simm.s32 @!p0 $0x0  }
0x12: {  	s1 =	sld [smem:$0x3F9B];
	s0 =	simm.s32 @p0 $0x1  }
0x13: {  	[smem:$0x3FB6] =	sst s0;
	s0 =	simm.s32 @!p1 $0x0  }
0x14: {  	s2 =	sld [smem:$0x3F9A];
	s0 =	simm.s32 @p1 $0x1  }
0x15: {  	[smem:$0x3FB7] =	sst s0;
	s0 =	simm.s32 @!p2 $0x0  }
0x16: {  	s3 =	sld [smem:$0x3FDB];
	s0 =	simm.s32 @p2 $0x1  }
0x17: {  	s4 =	simm.s32 $0x1BF5;
	[smem:$0x3FB9] =	sst s0  }
0x18: {  	s0 =	sld [smem:$0x3F9C];
	_ =	swait.ge [sflag:s4], $0x0  }
0x19: {  	s7 =	sld [smem:$0x3F9D]  }
0x1a: {  	s8 =	sadd.s32 $0xFFFFE003, lr  }
0x1b: {  	s9 =	sadd.s32 $0xFFFFFEF7, lr;
	s5 =	simm.s32 $0xFFFFFFFF;
	p2 =	slt.u32 s8, $0xFFFFF086  }
0x1c: {  	p1 =	slt.u32 s9, $0xF7A;
	s5 =	simm.s32 @!p2 $0x0  }
0x1d: {  	s5 =	simm.s32 @p1 $0x1;
	p0 =	seq.s32 s7, s2  }
0x1e: {  	s7 =	smul.u32 @!p0 $0xF7A, s2;
	p2 =	seq.s32 @!p0 s5, $0x0  }
0x1f: {  	s9 =	smul.u32 $0xF7A, s1;
	s8 =	simm.s32 @!p0 $0x1BF5;
	p2 =	por !p2, p0  }
0x20: {  	[sflag:s8] =	ssyncset.s32 @!p0 $0xFFFFF086;
	s6 =	sadd.s32 @!p0 s3, s7;
	s7 =	simm.s32 @!p0 $0x108  }
0x21: {  	s3 =	sadd.s32 s3, s9;
	s6 =	sadd.s32 @!p0 $0x88, s6;
	s7 =	simm.s32 @p2 $0x1082  }
0x22: {  	[simem:s7], [sflag:s8] =	dma.local @!p0 [hbm:s6], $0xF7A  }
0x23: {  	s9 =	sor.u32 $0xD0000000, s2;
	s6 =	simm.s32 $0x108;
	_ =	swait.ge @!p0 [sflag:s8], $0x0  }
0x24: {  	s3 =	sadd.s32 $0x88, s3;
	s6 =	simm.s32 @!p1 $0x1082;
	[sflag:s4] =	ssyncset.s32 $0xFFFFF086  }
0x25: {  	[simem:s6], [sflag:s4] =	dma.local [hbm:s3], $0xF7A  }
0x26: {  	[smem:$0x3F9D] =	sst s1;
	(tag) =	ssettag s2;
	_ =	strace s9  }
0x27: {  	s1 =	sld [smem:$0x3FAD]  }
0x28: {  	s2 =	sld [smem:$0x3FAE]  }
0x29: {  	s4 =	sld [smem:$0x3FB0]  }
0x2a: {  	p0 =	seq.s32 s5, $0x0;
	s5 =	sld [smem:$0x3FB1]  }
0x2b: {  	s6 =	sld [smem:$0x3FB2]  }
0x2c: {  	s7 =	sld [smem:$0x3FB3]  }
0x2d: {  	s3 =	simm.s32 $0x108;
	s8 =	sld [smem:$0x3FB4]  }
0x2e: {  	s3 =	simm.s32 @!p0 $0x1082;
	s9 =	sld [smem:$0x3FB5]  }
0x2f: {  	lr =	sadd.s32 s0, s3;
	s0 =	sld [smem:$0x3FAC]  }
0x30: {  	s3 =	sld [smem:$0x3FAF]  }
0x31: {  	[smem:$0x3FB8] =	sst s10  }
0x32: {  	s10 =	sld [smem:$0x3FB6];
	_ =	sdelay $0x3  }
0x33: {  	p0 =	seq.s32 s10, $0x1;
	s10 =	sld [smem:$0x3FB8];
	_ =	sdelay $0x3  }
0x34: {  	[smem:$0x3FB8] =	sst s10  }
0x35: {  	s10 =	sld [smem:$0x3FB7];
	_ =	sdelay $0x3  }
0x36: {  	p1 =	seq.s32 s10, $0x1;
	s10 =	sld [smem:$0x3FB8];
	_ =	sdelay $0x3  }
0x37: {  	[smem:$0x3FB8] =	sst s10  }
0x38: {  	s10 =	sld [smem:$0x3FB9]  }
0x39: {  	_ = 	snop;
	(pc) =	sbr.ind lr, $3  }
0x3a: {  	_ = 	snop  }
0x3b: {  	_ = 	snop  }
0x3c: {  	p2 =	seq.s32 s10, $0x1;
	s10 =	sld [smem:$0x3FB8]  }
0x3d: {  	_ =	shalt  }
0x3e: {  	_ =	shalt  }
0x3f: {  	_ =	shalt  }
0x40: {  	_ =	shalt  }
0x41: {  	_ =	shalt  }
0x42: {  	_ =	shalt  }
0x43: {  	_ =	shalt  }
0x44: {  	_ =	shalt  }
0x45: {  	_ =	shalt  }
0x46: {  	_ =	shalt  }
0x47: {  	_ =	shalt  }
0x48: {  	_ =	shalt  }
0x49: {  	_ =	shalt  }
0x4a: {  	_ =	shalt  }
0x4b: {  	_ =	shalt  }
0x4c: {  	_ =	shalt  }
0x4d: {  	_ =	shalt  }
0x4e: {  	_ =	shalt  }
0x4f: {  	_ =	shalt  }
0x50: {  	_ =	shalt  }
0x51: {  	_ =	shalt  }
0x52: {  	_ =	shalt  }
0x53: {  	_ =	shalt  }
0x54: {  	_ =	shalt  }
0x55: {  	_ =	shalt  }
0x56: {  	_ =	shalt  }
0x57: {  	_ =	shalt  }
0x58: {  	_ =	shalt  }
0x59: {  	_ =	shalt  }
0x5a: {  	_ =	shalt  }
0x5b: {  	_ =	shalt  }
0x5c: {  	_ =	shalt  }
0x5d: {  	_ =	shalt  }
0x5e: {  	_ =	shalt  }
0x5f: {  	_ =	shalt  }
0x60: {  	_ =	shalt  }
0x61: {  	_ =	shalt  }
0x62: {  	_ =	shalt  }
0x63: {  	_ =	shalt  }
0x64: {  	_ =	shalt  }
0x65: {  	_ =	shalt  }
0x66: {  	_ =	shalt  }
0x67: {  	_ =	shalt  }
0x68: {  	_ =	shalt  }
0x69: {  	_ =	shalt  }
0x6a: {  	_ =	shalt  }
0x6b: {  	_ =	shalt  }
0x6c: {  	_ =	shalt  }
0x6d: {  	_ =	shalt  }
0x6e: {  	_ =	shalt  }
0x6f: {  	_ =	shalt  }
0x70: {  	_ =	shalt  }
0x71: {  	_ =	shalt  }
0x72: {  	_ =	shalt  }
0x73: {  	_ =	shalt  }
0x74: {  	_ =	shalt  }
0x75: {  	_ =	shalt  }
0x76: {  	_ =	shalt  }
0x77: {  	_ =	shalt  }
0x78: {  	_ =	shalt  }
0x79: {  	_ =	shalt  }
0x7a: {  	_ =	shalt  }
0x7b: {  	_ =	shalt  }
0x7c: {  	_ =	shalt  }
0x7d: {  	_ =	shalt  }
0x7e: {  	_ =	shalt  }
0x7f: {  	_ =	shalt  }
0x80: {  	_ =	shalt  }
0x81: {  	_ =	shalt  }
0x82: {  	_ =	shalt  }
0x83: {  	_ =	shalt  }
0x84: {  	_ =	shalt  }
0x85: {  	_ =	shalt  }
0x86: {  	_ =	shalt  }
0x87: {  	_ =	shalt  }
.Lfunc_end0:
.L_simem_size_0:
called_computation.1_lowered:
.L_overlay_start_0:
0x88: {  	s2 =	sld [smem:$0x3FD9]  }
0x89: {  	s3 =	sld [smem:$0x3FFE];
	_ =	sdelay $0x1  }
0x8a: {  	s1 =	srdreg.scid  }
0x8b: {  	s0 =	sand.u32 $0x1, s1  }
0x8c: {  	s17 =	sshll.u32 s0, $0xA;
	s2 =	sadd.s32 s3, s2  }
0x8d: {  	s2 =	sadd.s32 s2, s17  }
0x8e: {  	[smem:$0x3FC4] =	sst s2  }
0x8f: {  	_ = 	snop  }
0x90: {  	s2 =	sld [smem:$0x3FC7]  }
0x91: {  	s18 =	sld [smem:$0x3FC6]  }
0x92: {  	s4 =	sld [smem:$0x3FD0];
	(tm) =	ssettm $0x1  }
0x93: {  	s5 =	sld [smem:$0x3FFB];
	_ =	sdelay $0x3  }
0x94: {  	_ =	strace s5  }
0x95: {  	s5 =	sld [smem:$0x3FFC];
	_ =	sdelay $0x3  }
0x96: {  	_ =	strace s5  }
0x97: {  	s5 =	sld [smem:$0x3FFD];
	_ =	sdelay $0x3  }
0x98: {  	_ =	strace s5  }
0x99: {  	_ =	strace $0x8FFFFFFF  }
0x9a: {  	s19 =	sld [smem:$0x3FDB];
	_ =	sdelay $0x1  }
0x9b: {  	s6 =	simm.s32 $_scs_section_size  }
0x9c: {  	s7 =	simm.s32 $_size__tile_overlayer_lowered;
	s8 =	simm.s32 $_tile_overlayer_lowered  }
0x9d: {  	s22 =	simm.s32 $0x1BFF;
	s21 =	sshll.u32 s8, $0x1;
	s5 =	sadd.s32 s6, s19  }
0x9e: {  	s9 =	simm.s32 $0x0;
	s20 =	sshll.u32 s7, $0x1;
	s7 =	sadd.s32 s21, s5  }
0x9f: {  	[timem:s9], [sflag:s22] =	dma.local [hbm:s7], s20  }
0xa0: {  	_ =	swait.ge [sflag:s22], s20  }
0xa1: {  	s6 =	ssub.s32 $0x0, s20;
	[sflag:s22] =	ssyncset.done $0x0  }
0xa2: {  	[sflag:s22] =	ssyncadd.s32 s6;
	_ =	sdelay $0x1  }
0xa3: {  	s23 =	simm.s32 $0x1B8B  }
0xa4: {  	_ =	swait.ge [sflag:s23], $0x1  }
0xa5: {  	[sflag:s23] =	ssyncset.done $0x0  }
0xa6: {  	s25 =	simm.s32 $0x1B8E;
	s24 =	sld [smem:$0x3FFE];
	[sflag:s23] =	ssyncadd.s32 $0xFFFFFFFF  }
0xa7: {  	s26 =	simm.s32 $execute0_lowered;
	[smem:$0x3FD2] =	sst s25  }
0xa8: {  	s7 =	sshll.u32 s26, $0x1;
	_ =	strace $0x80000046;
	[dreg:$0x1] =	wrdreg $0xFFFFFFFF  }
0xa9: {  	s28 =	simm.s32 $_size_execute0_lowered;
	s5 =	sadd.s32 s5, s7;
	[dreg:$0x0] =	wrdreg $0x0  }
0xaa: {  	s7 =	sshll.u32 s28, $0x1;
	[dreg:$0x2] =	wrdreg s5  }
0xab: {  	[dreg:$0x3] =	wrdreg s7  }
0xac: {  	[dreg:$0x4] =	wrdreg $0xC0  }
0xad: {  	_ =	task [dreg:s9], $0x5FFFF  }
0xae: {  	[dreg:$0x1] =	wrdreg $0xFFFFFFFF  }
0xaf: {  	[dreg:$0x0] =	wrdreg $0x60  }
0xb0: {  	[dreg:$0x2] =	wrdreg s4  }
0xb1: {  	[dreg:$0x3] =	wrdreg s24  }
0xb2: {  	[dreg:$0x4] =	wrdreg s2  }
0xb3: {  	[dreg:$0x5] =	wrdreg s18  }
0xb4: {  	[dreg:$0x6] =	wrdreg $0x9  }
0xb5: {  	_ =	task.clear_ibuf [dreg:s9], $0x7FFFF;
	_ =	strace $0x90000046  }
0xb6: {  	s29 =	simm.s32 $0x9;
	_ =	strace $0x80000048  }
0xb7: {  	_ =	swait.ge [sflag:s29], $0x1  }
0xb8: {  	[sflag:s29] =	ssyncadd.s32 $0xFFFFFFFF  }
0xb9: {  	_ =	strace $0x90000048  }
0xba: {  	_ =	sfence  }
0xbb: {  	s30 =	sld [smem:$0x0];
	_ =	sdelay $0x2  }
0xbc: {  	s31 =	sshll.u32 s1, $0xD;
	s1 =	sshrl.u32 s1, $0x2  }
0xbd: {  	s3 =	sand.u32 $0x4000, s31;
	s1 =	sadd.s32 s1, s30  }
0xbe: {  	s0 =	sor.u32 s3, s0;
	s1 =	sshll.u32 s1, $0x11  }
0xbf: {  	s0 =	sor.u32 s1, s0  }
0xc0: {  	s0 =	sadd.s32 $0x8F2B, s0  }
0xc1: {  	[sflag:s0] =	ssyncadd.remote.s32 $0x1  }
0xc2: {  	_ =	sfence.sel $0xFFFF  }
0xc3: {  	[dreg:$0x0] =	wrdreg $0xFFFFFFFF;
	(pc) =	sbr.abs _section_cstart, $3  }
0xc4: {  	[dreg:$0x1] =	wrdreg $0xFFFFFFFF  }
0xc5: {  	_ =	task.clear_ibuf [dreg:s9], $0x2FFFF;
	_ =	strace $0x9FFFFFFF  }
0xc6: {  	(tm) =	ssettm $0x7FFFFFFF  }
0xc7: {  	_ =	shalt  }
tec
execute0_lowered:
.L_overlay_start_1:
0x0: {  	(tag) =	ssettag $0x1  }
0x1: {  	s7 =	rddreg [dreg:$0x0];
	v0 =	vimm.s32 $0xFEDCBA98;
	v1 =	vimm.s32 $0x76543210;
	v2 =	vimm.s32 $0xBA98FEDC  }
0x2: {  	s6 =	rddreg [dreg:$0x1];
	s2 =	srdreg.scid;
	v3 =	vimm.s32 $0x32107654;
	v4 =	vimm.s32 $0xDCFE98BA;
	v5 =	vimm.s32 $0x54761032  }
0x3: {  	s0 =	stileid.u32;
	s1 =	rddreg [dreg:$0x2];
	s3 =	simm.s32 $0x0;
	v6 =	vimm.s32 $0xEFCDAB89;
	v7 =	vimm.s32 $0x67452301;
	v0 =	vunpack.c.l.s4.s8 v0  }
0x4: {  	s13 =	simm.s32 $0x16480;
	s14 =	simm.s32 $0x80;
	s15 =	simm.s32 $0x6400;
	v1 =	vunpack.c.l.s4.s8 v1;
	v2 =	vunpack.c.l.s4.s8 v2;
	v3 =	vunpack.c.l.s4.s8 v3  }
0x5: {  	s16 =	simm.s32 $0xA400;
	s17 =	simm.s32 $0x1;
	s18 =	simm.s32 $0xE400;
	v4 =	vunpack.c.l.s4.s8 v4;
	v5 =	vunpack.c.l.s4.s8 v5;
	v6 =	vunpack.c.l.s4.s8 v6  }
0x6: {  	s19 =	simm.s32 $0x2;
	s20 =	simm.s32 $0x12400;
	s21 =	simm.s32 $0x3;
	v7 =	vunpack.c.l.s4.s8 v7;
	v0 =	vunpack.c.0.s8.s32 v0;
	v2 =	vunpack.c.0.s8.s32 v2  }
0x7: {  	s5 =	sand.u32 $0x1, s2;
	s4 =	sshll.u32 s0, $0x1;
	s2 =	rddreg [dreg:$0x3];
	v3 =	vunpack.c.0.s8.s32 v3;
	v4 =	vunpack.c.0.s8.s32 v4;
	v1 =	vunpack.c.0.s8.s32 v1  }
0x8: {  	s22 =	simm.s32 $0x4;
	[smem:$0x7FF] =	sst s3;
	s8 =	sor.u32 s5, s4;
	v5 =	vunpack.c.0.s8.s32 v5;
	v6 =	vunpack.c.0.s8.s32 v6;
	v0 =	vand.u32 $0xF, v0  }
0x9: {  	s23 =	simm.s32 $0x0;
	s4 =	rddreg [dreg:$0x4];
	s9 =	smul.u32 $0xC80, s8;
	v7 =	vunpack.c.0.s8.s32 v7;
	v2 =	vcombine.low v3, v2;
	v60 =	vcombine.low v0, v1  }
.Ltmp0:
0xa: {  	_ =	strace $0x80000047;
	s10 =	ssub.s32 $0x2, s5;
	v3 =	vcombine.low v5, v4;
	(pc) =	sbr.rel .LBB2_1-.Ltmp0, $4  }
0xb: {  	s5 =	sadd.s32 $0xF42E00, s6;
	s11 =	smul.u32 $0x64000, s8;
	s12 =	sshrl.u32 s10, $0x1;
	v4 =	vcombine.low v7, v6;
	v1 =	vand.u32 $0xF, v2;
	[tilespmem:$0x1FFC0] =	vst v60  }
0xc: {  	s6 =	sadd.s32 $0xA00, s6;
	s8 =	smul.u32 $0x320000, s8;
	s10 =	ssub.s32 s10, s12;
	v2 =	vand.u32 $0xF, v3;
	[tilespmem:$0x1FFD0] =	vst v1  }
0xd: {  	s12 =	simm.s32 $0x16400;
	s7 =	sadd.s32 s7, s9;
	s11 =	sadd.s32 s11, s6;
	v3 =	vand.u32 $0xF, v4;
	[tilespmem:$0x1FFE0] =	vst v2  }
0xe: {  	s9 =	smax.u32 s10, $0x1;
	s10 =	sadd.s32 $0x800, s11;
	s11 =	simm.s32 $0x5;
	[tilespmem:$0x1FFF0] =	vst v3  }
.LBB2_8:
0xf: {  	_ =	swait.ge [sflag:s21], $0x4000  }
0x10: {  	s23 =	sadd.s32 $0x1, s23;
	[sflag:s21] =	ssyncset.done $0x0  }
0x11: {  	p0 =	sne.s32 s23, s9;
	[sflag:s21] =	ssyncadd.s32 $0xFFFFC000  }
.Ltmp1:
0x12: {  	_ =	swait.ge [sflag:s22], $0x4000;
	(pc) =	sbr.rel @!p0 .LBB2_9-.Ltmp1, $4  }
0x13: {  	v60 =	vld [tilespmem:$0x1FFC0]  }
0x14: {  	v1 =	vld [tilespmem:$0x1FFD0]  }
0x15: {  	[sflag:s22] =	ssyncset.done $0x0;
	v2 =	vld [tilespmem:$0x1FFE0]  }
0x16: {  	v3 =	vld [tilespmem:$0x1FFF0];
	[sflag:s22] =	ssyncadd.s32 $0xFFFFC000  }
.LBB2_1:
0x17: {  	[tilespmem:s3], [sflag:$0x5] =	stream.linear.gather [hbm4b:s7+s3], $0x6400, $0x38;
	[tilespmem:$0x16500] =	vst v63  }
0x18: {  	_ =	swait.ge [sflag:s11], $0x6400  }
0x19: {  	[sflag:s11] =	ssyncset.done $0x0  }
0x1a: {  	[sflag:s11] =	ssyncadd.s32 $0xFFFF9C00  }
0x1b: {  	[tilespmem:s12], [sflag:$0x5] =	stream.linear.gather [hbm4b:s1+s3], $0x80, $0x38;
	[tilespmem:$0x16500] =	vst v63  }
0x1c: {  	_ =	swait.ge [sflag:s11], $0x80  }
0x1d: {  	[sflag:s11] =	ssyncset.done $0x0  }
0x1e: {  	[sflag:s11] =	ssyncadd.s32 $0xFFFFFF80  }
0x1f: {  	[tilespmem:s13], [sflag:$0x5] =	stream.linear.gather [hbm4b:s2+s3], $0x80, $0x38;
	[tilespmem:$0x16500] =	vst v63  }
0x20: {  	_ =	swait.ge [sflag:s11], $0x80  }
0x21: {  	[sflag:s11] =	ssyncset.done $0x0  }
0x22: {  	[sflag:s11] =	ssyncadd.s32 $0xFFFFFF80  }
0x23: {  	v5 =	vld [tilespmem:$0x16400]  }
0x24: {  	v7 =	vld [tilespmem:$0x16410]  }
0x25: {  	v8 =	vld [tilespmem:$0x16420]  }
0x26: {  	v6 =	vld [tilespmem:$0x16430]  }
0x27: {  	v9 =	vld [tilespmem:$0x16480]  }
0x28: {  	v0 =	vld [tilespmem:$0x164B0]  }
0x29: {  	v10 =	vld [tilespmem:$0x16490]  }
0x2a: {  	v11 =	vld [tilespmem:$0x164A0];
	[tilespmem:s15], [sflag:$0x1] =	stream.indirect.gather [hbm4b:s5+s14], $0x80, s3, s14, $0xb8  }
0x2b: {  	_ = 	snop  }
0x2c: {  	[tilespmem:s16], [sflag:$0x2] =	stream.indirect.gather [hbm4b:s5+s14], $0x80, s14, s14, $0xb8;
	[tilespmem:$0x16500] =	vst v63  }
0x2d: {  	[tilespmem:$0x1FF40] =	vst v0  }
0x2e: {  	[tilespmem:$0x1FF50] =	vst v5  }
0x2f: {  	[tilespmem:$0x1FF60] =	vst v7  }
0x30: {  	[tilespmem:$0x1FF70] =	vst v8  }
0x31: {  	[tilespmem:$0x1FF80] =	vst v6  }
0x32: {  	[tilespmem:$0x1FF90] =	vst v9  }
0x33: {  	[tilespmem:$0x1FFA0] =	vst v10  }
0x34: {  	s24 =	simm.s32 $0x0;
	[tilespmem:$0x1FFB0] =	vst v11  }
.LBB2_2:
0x35: {  	p0 =	seq.s32 s24, $0x0  }
0x36: {  	s25 =	simm.s32 @!p0 $0x3  }
0x37: {  	_ =	swait.ge @!p0 [sflag:s25], $0x4000  }
0x38: {  	[sflag:s25] =	ssyncset.done @!p0 $0x0  }
0x39: {  	[sflag:s25] =	ssyncadd.s32 @!p0 $0xFFFFC000  }
0x3a: {  	_ =	swait.ge [sflag:s17], $0x4000  }
0x3b: {  	[sflag:s17] =	ssyncset.done $0x0  }
0x3c: {  	s31 =	simm.s32 $0x6600;
	[sflag:s17] =	ssyncadd.s32 $0xFFFFC000  }
0x3d: {  	v4 =	vld [tilespmem:s31+$0x180];
	_ =	sdelay $0x4  }
0x3e: {  	[tilespmem:$0x1FF10] =	vst v4  }
0x3f: {  	v12 =	vld [tilespmem:s31+$0x190];
	_ =	sdelay $0x4  }
0x40: {  	[tilespmem:$0x1FF20] =	vst v12  }
0x41: {  	v0 =	vld [tilespmem:s31+$0x1A0];
	_ =	sdelay $0x4  }
0x42: {  	[tilespmem:$0x1FF30] =	vst v0  }
0x43: {  	v13 =	vld [tilespmem:s31+$0x1B0];
	_ =	sdelay $0x4  }
0x44: {  	[tilespmem:$0x1FF00] =	vst v13  }
0x45: {  	v19 =	vld [tilespmem:s31+$0xFFFFFE10]  }
0x46: {  	v17 =	vld [tilespmem:s31+$0xFFFFFE20]  }
0x47: {  	v20 =	vld [tilespmem:s31+$0xFFFFFE30]  }
0x48: {  	v14 =	vld [tilespmem:s31+$0xFFFFFE80]  }
0x49: {  	v25 =	vmul.f32 v4, v4;
	v15 =	vld [tilespmem:s31+$0xFFFFFE90]  }
0x4a: {  	v21 =	vadd.f32 v12, v4;
	v26 =	vmul.f32 v12, v12;
	v23 =	vadd.f32 v13, v0;
	v22 =	vld [tilespmem:s31+$0xFFFFFEA0]  }
0x4b: {  	v27 =	vmul.f32 v0, v0;
	v28 =	vmul.f32 v13, v13;
	v24 =	vld [tilespmem:s31+$0xFFFFFEB0]  }
0x4c: {  	v29 =	vadd.f32 v23, v21;
	v21 =	vld [tilespmem:s31+$0xFFFFFF00]  }
0x4d: {  	v26 =	vadd.f32 v26, v25;
	v27 =	vadd.f32 v28, v27;
	v23 =	vld [tilespmem:s31+$0xFFFFFF10];
	[tilespmem:$0x1FED0] =	vst v17  }
0x4e: {  	v25 =	vld [tilespmem:s31+$0xFFFFFF20];
	[tilespmem:$0x1FEE0] =	vst v14  }
0x4f: {  	v32 =	vadd.f32 v27, v26;
	v28 =	vmul.f32 v17, v17;
	v30 =	vmul.f32 v20, v20;
	v26 =	vld [tilespmem:s31+$0xFFFFFF30];
	[tilespmem:$0x1FEF0] =	vst v15  }
0x50: {  	v33 =	vperm.xlane v29, v60;
	v46 =	vadd.f32 v20, v17;
	v27 =	vld [tilespmem:s31+$0xFFFFFF80]  }
0x51: {  	v34 =	vadd.f32 v15, v14;
	v36 =	vperm.xlane v32, v60;
	v47 =	vadd.f32 v30, v28;
	v28 =	vld [tilespmem:s31+$0xFFFFFF90]  }
0x52: {  	v31 =	vmul.f32 v14, v14;
	v33 =	vadd.f32 v29, v33;
	v4 =	vadd.f32 v24, v22;
	v29 =	vld [tilespmem:s31+$0xFFFFFFA0]  }
0x53: {  	v39 =	vmul.f32 v21, v21;
	v42 =	vmul.f32 v23, v23;
	v36 =	vadd.f32 v36, v32;
	v32 =	vld [tilespmem:s31+$0x10]  }
0x54: {  	v30 =	vmul.f32 v15, v15;
	v40 =	vperm.xlane v33, v1;
	v49 =	vadd.f32 v4, v34;
	v34 =	vld [tilespmem:s31+$0x80]  }
0x55: {  	v35 =	vmul.f32 v22, v22;
	v38 =	vmul.f32 v24, v24;
	v56 =	vadd.f32 v42, v39;
	v39 =	vld [tilespmem:s31+$0xA0]  }
0x56: {  	v48 =	vadd.f32 v30, v31;
	v31 =	vld [tilespmem:s31+$0xFFFFFFB0];
	v4 =	vadd.f32 v33, v40;
	v59 =	vperm.xlane v36, v1  }
0x57: {  	v41 =	vadd.f32 v23, v21;
	v50 =	vadd.f32 v38, v35;
	v30 =	vld [tilespmem:s31+$0x0];
	v43 =	vmul.f32 v25, v25  }
0x58: {  	v33 =	vld [tilespmem:s31+$0x20];
	v63 =	vperm.xlane v4, v2;
	v44 =	vadd.f32 v59, v36;
	v61 =	vadd.f32 v26, v25  }
0x59: {  	v40 =	vld [tilespmem:s31+$0xB0];
	v62 =	vmul.f32 v26, v26;
	v51 =	vmul.f32 v27, v27;
	v52 =	vadd.f32 v28, v27  }
0x5a: {  	v36 =	vld [tilespmem:s31+$0x30];
	v54 =	vmul.f32 v29, v29;
	v38 =	vadd.f32 v4, v63;
	v0 =	vperm.xlane v44, v2  }
0x5b: {  	v18 =	vmul.f32 v34, v34;
	v16 =	vmul.f32 v39, v39;
	v53 =	vadd.f32 v61, v41  }
0x5c: {  	v41 =	vmul.f32 v28, v28;
	v55 =	vadd.f32 v31, v29;
	v57 =	vmul.f32 v31, v31  }
0x5d: {  	v58 =	vmul.f32 v30, v30;
	v59 =	vadd.f32 v32, v30;
	v61 =	vmul.f32 v32, v32  }
0x5e: {  	v4 =	vld [tilespmem:s31+$0x90];
	v14 =	vadd.f32 v40, v39;
	v15 =	vmul.f32 v40, v40;
	v44 =	vadd.f32 v0, v44  }
0x5f: {  	v37 =	vperm.xlane v38, v3;
	v0 =	vadd.f32 v62, v43;
	v63 =	vadd.f32 v36, v33  }
0x60: {  	v62 =	vmul.f32 v33, v33;
	v52 =	vadd.f32 v55, v52;
	v51 =	vadd.f32 v41, v51  }
0x61: {  	v35 =	vld [tilespmem:s31+$0x100];
	v55 =	vmul.f32 v36, v36;
	v54 =	vadd.f32 v57, v54;
	v58 =	vadd.f32 v61, v58  }
0x62: {  	v15 =	vadd.f32 v15, v16;
	v42 =	vadd.f32 v38, v37;
	v43 =	vperm.xlane v44, v3;
	v38 =	vld [tilespmem:s31+$0x110]  }
0x63: {  	v17 =	vmul.f32 v4, v4;
	v55 =	vadd.f32 v55, v62;
	v51 =	vadd.f32 v54, v51  }
0x64: {  	v37 =	vmovc v60;
	v12 =	vadd.f32 v43, v44;
	v43 =	vmul.f32 $1.562500000e-02, v42;
	v44 =	vld [tilespmem:s31+$0xFFFFFE00];
	v42 =	vadd.f32 v4, v34  }
0x65: {  	v60 =	vld [tilespmem:s31+$0x130];
	v17 =	vadd.f32 v17, v18;
	v54 =	vperm.xlane v52, v37;
	v55 =	vadd.f32 v55, v58  }
0x66: {  	v13 =	vmul.f32 $1.562500000e-02, v12;
	v12 =	vmul.f32 v43, v43;
	v14 =	vadd.f32 v14, v42  }
0x67: {  	v45 =	vmul.f32 v19, v19;
	v57 =	vadd.f32 v38, v35;
	v15 =	vadd.f32 v15, v17  }
0x68: {  	v41 =	vld [tilespmem:s31+$0x120];
	v62 =	vmul.f32 v38, v38;
	v52 =	vadd.f32 v52, v54;
	v12 =	vsub.f32 v13, v12  }
0x69: {  	v13 =	vadd.f32 v63, v59;
	v59 =	vmul.f32 v35, v35;
	v17 =	vperm.xlane v14, v37  }
0x6a: {  	v61 =	vadd.f32 v19, v44;
	v63 =	vmul.f32 v44, v44;
	v18 =	vmul.f32 v60, v60  }
0x6b: {  	v12 =	vadd.f32 $9.999999740e-06, v12;
	v59 =	vadd.f32 v62, v59;
	v58 =	vperm.xlane v13, v37  }
0x6c: {  	v14 =	vadd.f32 v14, v17;
	v17 =	vperm.xlane v15, v37;
	v42 =	vadd.f32 v46, v61  }
0x6d: {  	v46 =	vmul.f32 v41, v41;
	v61 =	vadd.f32 v60, v41;
	v45 =	vadd.f32 v45, v63  }
0x6e: {  	v63 =	vshra.s32 v12, $0x1;
	v12 =	vmul.f32 $5.000000000e-01, v12;
	v13 =	vadd.f32 v13, v58  }
0x6f: {  	v58 =	vperm.xlane v55, v37;
	v15 =	vadd.f32 v17, v15;
	v63 =	vsub.s32 $0x5F3759DF, v63  }
0x70: {  	v57 =	vadd.f32 v61, v57;
	v61 =	vperm.xlane v42, v37;
	v45 =	vadd.f32 v47, v45  }
0x71: {  	v18 =	vadd.f32 v18, v46;
	v47 =	vadd.f32 v50, v48;
	v48 =	vperm.xlane v49, v37  }
0x72: {  	v50 =	vadd.f32 v0, v56;
	v56 =	vperm.xlane v53, v37;
	v16 =	vmul.f32 v63, v12  }
0x73: {  	v55 =	vadd.f32 v58, v55;
	v58 =	vperm.xlane v14, v1;
	v18 =	vadd.f32 v18, v59  }
0x74: {  	v62 =	vperm.xlane v45, v37;
	v48 =	vadd.f32 v49, v48;
	v53 =	vadd.f32 v53, v56  }
0x75: {  	v56 =	vperm.xlane v50, v37;
	v16 =	vmul.f32 v63, v16;
	v14 =	vadd.f32 v14, v58  }
0x76: {  	v58 =	vperm.xlane v15, v1;
	v45 =	vadd.f32 v62, v45;
	v59 =	vperm.xlane v18, v37  }
0x77: {  	v0 =	vperm.xlane v57, v37;
	v50 =	vadd.f32 v56, v50;
	v16 =	vsub.f32 $1.500000000e+00, v16  }
0x78: {  	v62 =	vperm.xlane v48, v1;
	v15 =	vadd.f32 v58, v15;
	v18 =	vadd.f32 v59, v18  }
0x79: {  	v46 =	vmul.f32 v63, v16;
	v16 =	vadd.f32 v42, v61;
	v63 =	vperm.xlane v47, v37  }
0x7a: {  	v48 =	vadd.f32 v48, v62;
	v61 =	vperm.xlane v51, v37;
	v37 =	vperm.xlane v52, v1  }
0x7b: {  	v42 =	vadd.f32 v57, v0;
	v12 =	vmul.f32 v46, v12;
	v57 =	vperm.xlane v16, v1  }
0x7c: {  	v47 =	vadd.f32 v63, v47;
	v63 =	vperm.xlane v53, v1;
	v51 =	vadd.f32 v61, v51  }
0x7d: {  	v61 =	vperm.xlane v13, v1;
	v17 =	vperm.xlane v42, v1;
	v52 =	vadd.f32 v52, v37  }
0x7e: {  	v12 =	vmul.f32 v12, v46;
	v16 =	vadd.f32 v16, v57;
	v57 =	vperm.xlane v45, v1  }
0x7f: {  	v62 =	vperm.xlane v47, v1;
	v49 =	vadd.f32 v53, v63;
	v63 =	vperm.xlane v50, v1  }
0x80: {  	v37 =	vperm.xlane v51, v1;
	v13 =	vadd.f32 v13, v61;
	v61 =	vperm.xlane v55, v1  }
0x81: {  	v17 =	vadd.f32 v42, v17;
	v42 =	vperm.xlane v18, v1;
	v0 =	vperm.xlane v16, v2  }
0x82: {  	v45 =	vadd.f32 v57, v45;
	v57 =	vperm.xlane v48, v2;
	v47 =	vadd.f32 v62, v47  }
0x83: {  	v62 =	vperm.xlane v49, v2;
	v50 =	vadd.f32 v63, v50;
	v63 =	vperm.xlane v52, v2  }
0x84: {  	v51 =	vadd.f32 v37, v51;
	v37 =	vperm.xlane v13, v2;
	v55 =	vadd.f32 v61, v55  }
0x85: {  	v61 =	vperm.xlane v14, v2;
	v18 =	vadd.f32 v42, v18;
	v16 =	vadd.f32 v16, v0  }
0x86: {  	v0 =	vperm.xlane v17, v2;
	v1 =	vperm.xlane v45, v2;
	v48 =	vadd.f32 v48, v57  }
0x87: {  	v57 =	vperm.xlane v47, v2;
	v49 =	vadd.f32 v49, v62;
	v62 =	vperm.xlane v50, v2  }
0x88: {  	v52 =	vadd.f32 v52, v63;
	v63 =	vperm.xlane v51, v2;
	v13 =	vadd.f32 v13, v37  }
0x89: {  	v37 =	vperm.xlane v55, v2;
	v14 =	vadd.f32 v14, v61;
	v61 =	vperm.xlane v15, v2  }
0x8a: {  	v17 =	vadd.f32 v17, v0;
	v58 =	vperm.xlane v16, v3;
	v42 =	vadd.f32 v1, v45  }
0x8b: {  	v45 =	vperm.xlane v18, v2;
	v0 =	vperm.xlane v48, v3;
	v47 =	vadd.f32 v57, v47  }
0x8c: {  	v57 =	vperm.xlane v49, v3;
	v50 =	vadd.f32 v62, v50;
	v62 =	vperm.xlane v52, v3  }
0x8d: {  	v51 =	vadd.f32 v63, v51;
	v63 =	vperm.xlane v13, v3;
	v54 =	vadd.f32 v37, v55  }
0x8e: {  	v37 =	vperm.xlane v14, v3;
	v15 =	vadd.f32 v61, v15;
	v61 =	vperm.xlane v17, v3  }
0x8f: {  	v18 =	vadd.f32 v45, v18;
	v16 =	vadd.f32 v16, v58;
	v1 =	vperm.xlane v42, v3  }
0x90: {  	v48 =	vadd.f32 v48, v0;
	v2 =	vperm.xlane v47, v3;
	v49 =	vadd.f32 v49, v57  }
0x91: {  	v57 =	vperm.xlane v50, v3;
	v52 =	vadd.f32 v52, v62;
	v62 =	vperm.xlane v51, v3  }
0x92: {  	v13 =	vadd.f32 v13, v63;
	v63 =	vperm.xlane v54, v3;
	v14 =	vadd.f32 v14, v37  }
0x93: {  	v37 =	vperm.xlane v15, v3;
	v17 =	vadd.f32 v17, v61;
	v61 =	vperm.xlane v18, v3  }
0x94: {  	v16 =	vmul.f32 $1.562500000e-02, v16;
	v0 =	vmul.f32 $1.562500000e-02, v48  }
0x95: {  	v42 =	vadd.f32 v1, v42;
	v49 =	vmul.f32 $1.562500000e-02, v49;
	v52 =	vmul.f32 $1.562500000e-02, v52  }
0x96: {  	v58 =	vadd.f32 v2, v47;
	v48 =	vmul.f32 $1.562500000e-02, v13;
	v47 =	vmul.f32 $1.562500000e-02, v14  }
0x97: {  	v50 =	vadd.f32 v57, v50;
	v14 =	vmul.f32 $1.562500000e-02, v42;
	v45 =	vmul.f32 $1.562500000e-02, v17  }
0x98: {  	v51 =	vadd.f32 v62, v51;
	v17 =	vmul.f32 v16, v16;
	v62 =	vmul.f32 $1.562500000e-02, v58  }
0x99: {  	v13 =	vadd.f32 v63, v54;
	v63 =	vmul.f32 v0, v0;
	v50 =	vmul.f32 $1.562500000e-02, v50  }
0x9a: {  	v15 =	vadd.f32 v37, v15;
	v51 =	vmul.f32 $1.562500000e-02, v51;
	v1 =	vmul.f32 v52, v52  }
0x9b: {  	v12 =	vsub.f32 $1.500000000e+00, v12;
	v13 =	vmul.f32 $1.562500000e-02, v13;
	v2 =	vmul.f32 v48, v48  }
0x9c: {  	v18 =	vadd.f32 v61, v18;
	v15 =	vmul.f32 $1.562500000e-02, v15;
	v37 =	vmul.f32 v47, v47  }
0x9d: {  	v14 =	vsub.f32 v14, v17;
	v17 =	vmul.f32 v49, v49;
	v42 =	vsub.f32 v62, v63  }
0x9e: {  	v51 =	vsub.f32 v51, v1;
	v18 =	vmul.f32 $1.562500000e-02, v18;
	v13 =	vsub.f32 v13, v2  }
0x9f: {  	v56 =	vmul.f32 v45, v45;
	v15 =	vsub.f32 v15, v37;
	v17 =	vsub.f32 v50, v17  }
0xa0: {  	v46 =	vmul.f32 v12, v46;
	v14 =	vadd.f32 $9.999999740e-06, v14;
	v12 =	vadd.f32 $9.999999740e-06, v42  }
0xa1: {  	v18 =	vsub.f32 v18, v56;
	v58 =	vadd.f32 $9.999999740e-06, v51  }
0xa2: {  	v13 =	vadd.f32 $9.999999740e-06, v13;
	v15 =	vadd.f32 $9.999999740e-06, v15;
	v57 =	vshra.s32 v14, $0x1  }
0xa3: {  	v17 =	vadd.f32 $9.999999740e-06, v17;
	v14 =	vmul.f32 $5.000000000e-01, v14;
	v59 =	vshra.s32 v12, $0x1  }
0xa4: {  	v18 =	vadd.f32 $9.999999740e-06, v18;
	v12 =	vmul.f32 $5.000000000e-01, v12;
	v61 =	vshra.s32 v58, $0x1  }
0xa5: {  	v50 =	vmul.f32 $5.000000000e-01, v58;
	v62 =	vshra.s32 v13, $0x1;
	v13 =	vmul.f32 $5.000000000e-01, v13  }
0xa6: {  	v37 =	vshra.s32 v15, $0x1;
	v15 =	vmul.f32 $5.000000000e-01, v15;
	v42 =	vsub.s32 $0x5F3759DF, v57  }
0xa7: {  	v51 =	vsub.s32 $0x5F3759DF, v59;
	v54 =	vsub.s32 $0x5F3759DF, v61;
	v55 =	vsub.s32 $0x5F3759DF, v62  }
0xa8: {  	v53 =	vshra.s32 v17, $0x1;
	v17 =	vmul.f32 $5.000000000e-01, v17;
	v63 =	vmul.f32 v42, v14  }
0xa9: {  	v1 =	vmul.f32 v51, v12;
	v2 =	vshra.s32 v18, $0x1;
	v18 =	vmul.f32 $5.000000000e-01, v18  }
0xaa: {  	v57 =	vsub.s32 $0x5F3759DF, v37;
	v62 =	vmul.f32 v54, v50;
	v37 =	vmul.f32 v55, v13  }
0xab: {  	v53 =	vsub.s32 $0x5F3759DF, v53;
	v56 =	vmul.f32 v42, v63;
	v58 =	vmul.f32 v51, v1  }
0xac: {  	v61 =	vmul.f32 v53, v17;
	v1 =	vmul.f32 v57, v15  }
0xad: {  	v62 =	vmul.f32 v54, v62;
	v63 =	vmul.f32 v55, v37;
	v56 =	vsub.f32 $1.500000000e+00, v56  }
0xae: {  	v58 =	vsub.f32 $1.500000000e+00, v58;
	v61 =	vmul.f32 v53, v61;
	v59 =	vmul.f32 v57, v1  }
0xaf: {  	v62 =	vsub.f32 $1.500000000e+00, v62;
	v37 =	vsub.f32 $1.500000000e+00, v63;
	v42 =	vmul.f32 v42, v56  }
0xb0: {  	v56 =	vsub.s32 $0x5F3759DF, v2;
	v51 =	vmul.f32 v51, v58;
	v61 =	vsub.f32 $1.500000000e+00, v61  }
0xb1: {  	v59 =	vsub.f32 $1.500000000e+00, v59;
	v54 =	vmul.f32 v54, v62;
	v55 =	vmul.f32 v55, v37  }
0xb2: {  	v2 =	vmul.f32 v56, v18;
	v14 =	vmul.f32 v42, v14  }
0xb3: {  	v53 =	vmul.f32 v53, v61;
	v57 =	vmul.f32 v57, v59  }
0xb4: {  	v12 =	vmul.f32 v51, v12;
	v59 =	vmul.f32 v54, v50  }
0xb5: {  	v13 =	vmul.f32 v55, v13;
	v58 =	vmul.f32 v56, v2  }
0xb6: {  	v14 =	vmul.f32 v14, v42;
	v17 =	vmul.f32 v53, v17  }
0xb7: {  	v15 =	vmul.f32 v57, v15;
	v12 =	vmul.f32 v12, v51;
	v58 =	vsub.f32 $1.500000000e+00, v58  }
0xb8: {  	v13 =	vmul.f32 v13, v55;
	v14 =	vsub.f32 $1.500000000e+00, v14;
	v17 =	vmul.f32 v17, v53  }
0xb9: {  	v12 =	vsub.f32 $1.500000000e+00, v12;
	v15 =	vmul.f32 v15, v57;
	v56 =	vmul.f32 v56, v58  }
0xba: {  	v63 =	vld [tilespmem:$0x1FED0];
	v13 =	vsub.f32 $1.500000000e+00, v13;
	v14 =	vmul.f32 v14, v42;
	v42 =	vmul.f32 v59, v54  }
0xbb: {  	v17 =	vsub.f32 $1.500000000e+00, v17;
	v12 =	vmul.f32 v12, v51;
	v15 =	vsub.f32 $1.500000000e+00, v15  }
0xbc: {  	v16 =	vsub.f32 $0.0e+00, v16;
	v13 =	vmul.f32 v13, v55;
	v18 =	vmul.f32 v56, v18  }
0xbd: {  	v58 =	vld [tilespmem:$0x1FEF0];
	v17 =	vmul.f32 v17, v53;
	v15 =	vmul.f32 v15, v57  }
0xbe: {  	v61 =	vsub.f32 $0.0e+00, v0;
	v16 =	vmul.f32 v14, v16;
	v44 =	vmul.f32 v14, v44  }
0xbf: {  	v62 =	vmul.f32 v14, v19;
	v37 =	vmul.f32 v14, v63  }
0xc0: {  	v42 =	vsub.f32 $1.500000000e+00, v42;
	v14 =	vmul.f32 v14, v20;
	v20 =	vmul.f32 v12, v61  }
0xc1: {  	v49 =	vsub.f32 $0.0e+00, v49;
	v22 =	vmul.f32 v12, v22;
	v18 =	vmul.f32 v18, v56  }
0xc2: {  	v42 =	vmul.f32 v42, v54;
	v59 =	vmul.f32 v12, v58  }
0xc3: {  	v44 =	vadd.f32 v16, v44;
	v51 =	vadd.f32 v16, v62;
	v49 =	vmul.f32 v17, v49  }
0xc4: {  	v61 =	vadd.f32 v16, v37;
	v21 =	vmul.f32 v17, v21;
	v18 =	vsub.f32 $1.500000000e+00, v18  }
0xc5: {  	v23 =	vmul.f32 v17, v23;
	v14 =	vadd.f32 v16, v14;
	v16 =	vmul.f32 v17, v25  }
0xc6: {  	v17 =	vmul.f32 v17, v26;
	v18 =	vmul.f32 v18, v56;
	v56 =	vld [tilespmem:$0x1FEE0]  }
0xc7: {  	v25 =	vsub.f32 $0.0e+00, v48;
	v48 =	vadd.f32 v20, v22;
	v22 =	vmul.f32 v13, v30  }
0xc8: {  	v30 =	vmul.f32 v13, v32;
	v62 =	vmul.f32 v13, v33  }
0xc9: {  	v26 =	vmul.f32 v42, v27;
	v28 =	vmul.f32 v42, v28  }
0xca: {  	v29 =	vmul.f32 v42, v29;
	v31 =	vmul.f32 v42, v31  }
0xcb: {  	v33 =	vadd.f32 v49, v21;
	v63 =	vadd.f32 v49, v16;
	v57 =	vmul.f32 v12, v56  }
0xcc: {  	v21 =	vmul.f32 v15, v34;
	v12 =	vmul.f32 v12, v24;
	v24 =	vsub.f32 $0.0e+00, v52  }
0xcd: {  	v61 =	vmul.f32 v61, v8;
	v14 =	vmul.f32 v14, v6;
	v27 =	vadd.f32 v20, v57  }
0xce: {  	v24 =	vmul.f32 v42, v24;
	v42 =	vadd.f32 v20, v59;
	v12 =	vadd.f32 v20, v12  }
0xcf: {  	v20 =	vmul.f32 v13, v25;
	v25 =	vsub.f32 $0.0e+00, v47;
	v13 =	vmul.f32 v13, v36  }
0xd0: {  	v36 =	vadd.f32 v49, v23;
	v49 =	vadd.f32 v49, v17;
	v23 =	vmul.f32 v15, v4  }
0xd1: {  	v17 =	vsub.f32 $0.0e+00, v43;
	v59 =	vmul.f32 v44, v5;
	v16 =	vmul.f32 v15, v25  }
0xd2: {  	v25 =	vmul.f32 v15, v39;
	v26 =	vadd.f32 v24, v26;
	v28 =	vadd.f32 v24, v28  }
0xd3: {  	v15 =	vmul.f32 v15, v40;
	v29 =	vadd.f32 v24, v29;
	v34 =	vadd.f32 v24, v31  }
0xd4: {  	v56 =	vld [tilespmem:$0x1FF10];
	v24 =	vmul.f32 v46, v17;
	v17 =	vsub.f32 $0.0e+00, v45;
	v4 =	vadd.f32 v20, v22  }
0xd5: {  	v45 =	vld [tilespmem:$0x1FF00];
	v30 =	vadd.f32 v20, v30;
	v53 =	vadd.f32 v20, v13;
	v13 =	vmul.f32 v18, v35  }
0xd6: {  	v50 =	vadd.f32 v20, v62;
	v20 =	vmul.f32 v18, v41;
	v62 =	vmul.f32 v48, v8  }
0xd7: {  	v12 =	vmul.f32 v12, v6;
	v32 =	vmul.f32 v36, v7  }
0xd8: {  	v57 =	vld [tilespmem:$0x1FF20];
	v36 =	vmul.f32 v63, v8;
	v35 =	vmul.f32 v49, v6  }
0xd9: {  	v58 =	vld [tilespmem:$0x1FF30];
	v19 =	vmul.f32 v46, v56;
	v54 =	vmul.f32 v18, v17  }
0xda: {  	v43 =	vld [tilespmem:$0x1FF40];
	v63 =	vadd.f32 v61, v11;
	v17 =	vmul.f32 v18, v38;
	v31 =	vmul.f32 v46, v45  }
0xdb: {  	v55 =	vadd.f32 v16, v21;
	v18 =	vmul.f32 v18, v60;
	v22 =	vadd.f32 v16, v23  }
0xdc: {  	v21 =	vadd.f32 v16, v15;
	v60 =	vmul.f32 v51, v7;
	v15 =	vadd.f32 v24, v31  }
0xdd: {  	v23 =	vadd.f32 v16, v25;
	v28 =	vmul.f32 v28, v7;
	v25 =	vmul.f32 v46, v57  }
0xde: {  	v57 =	vadd.f32 v24, v19;
	v16 =	vadd.f32 v54, v18;
	v18 =	vmul.f32 v15, v6  }
0xdf: {  	s28 =	simm.s32 $0xE600;
	v14 =	vadd.f32 v14, v43;
	v13 =	vadd.f32 v54, v13;
	v31 =	vmul.f32 v46, v58  }
0xe0: {  	[tilespmem:s28+$0xFFFFFE20] =	vst v63;
	v19 =	vadd.f32 v24, v25;
	v25 =	vmul.f32 v27, v5;
	v18 =	vadd.f32 v18, v43  }
0xe1: {  	v27 =	vmul.f32 v42, v7;
	[tilespmem:s28+$0xFFFFFE30] =	vst v14;
	v15 =	vadd.f32 v24, v31;
	v24 =	vadd.f32 v59, v9  }
0xe2: {  	v17 =	vadd.f32 v54, v17;
	v14 =	vmul.f32 v53, v6;
	[tilespmem:s28+$0x1B0] =	vst v18;
	v18 =	vadd.f32 v60, v10  }
0xe3: {  	v31 =	vmul.f32 v33, v5;
	v33 =	vadd.f32 v27, v10;
	v27 =	vmul.f32 v30, v7;
	[tilespmem:s28+$0xFFFFFE00] =	vst v24  }
0xe4: {  	v30 =	vmul.f32 v50, v8;
	v24 =	vmul.f32 v26, v5;
	[tilespmem:s28+$0xFFFFFE10] =	vst v18;
	v18 =	vadd.f32 v25, v9  }
0xe5: {  	s29 =	simm.s32 $0x0;
	v20 =	vadd.f32 v54, v20;
	v59 =	vmovc v3;
	v26 =	vmul.f32 v29, v8;
	v29 =	vmul.f32 v34, v6  }
0xe6: {  	s30 =	simm.s32 $0x6A00;
	s26 =	simm.s32 $0xE600;
	s25 =	sshll.u32 s24, $0xA;
	v34 =	vadd.f32 v62, v11;
	v25 =	vmul.f32 v4, v5;
	v4 =	vmul.f32 v55, v5;
	[tilespmem:s28+$0xFFFFFE80] =	vst v18  }
.LBB2_3:
0xe7: {  	[tilespmem:s28+$0xFFFFFE90] =	vst v33;
	v48 =	vmul.f32 v23, v8  }
0xe8: {  	v38 =	vadd.f32 v12, v43;
	[tilespmem:s28+$0xFFFFFEA0] =	vst v34  }
0xe9: {  	v0 =	vmul.f32 v22, v7;
	v22 =	vadd.f32 v31, v9;
	[tilespmem:$0x1FE00] =	vst v48  }
0xea: {  	v18 =	vld [tilespmem:s30+$0x180];
	v54 =	vmul.f32 v57, v5;
	[tilespmem:s28+$0xFFFFFEB0] =	vst v38  }
0xeb: {  	v49 =	vld [tilespmem:s30+$0x190];
	v23 =	vadd.f32 v32, v10;
	[tilespmem:s28+$0xFFFFFF00] =	vst v22  }
0xec: {  	v51 =	vld [tilespmem:s30+$0x1A0];
	v50 =	vmul.f32 v13, v5;
	[tilespmem:$0x1FE60] =	vst v54  }
0xed: {  	v58 =	vld [tilespmem:s30+$0x1B0];
	v52 =	vmul.f32 v20, v8;
	[tilespmem:s28+$0xFFFFFF10] =	vst v23  }
0xee: {  	v57 =	vld [tilespmem:s30+$0xFFFFFE20];
	v55 =	vmul.f32 v19, v7;
	[tilespmem:$0x1FE20] =	vst v50  }
0xef: {  	v31 =	vld [tilespmem:s30+$0xFFFFFE30];
	v36 =	vadd.f32 v36, v11;
	[tilespmem:$0x1FE40] =	vst v52  }
0xf0: {  	v20 =	vld [tilespmem:s30+$0xFFFFFE10];
	v60 =	vadd.f32 v24, v9;
	[tilespmem:$0x1FE80] =	vst v55  }
0xf1: {  	v28 =	vadd.f32 v28, v10;
	v22 =	vld [tilespmem:$0x1FFD0];
	[tilespmem:s28+$0xFFFFFF20] =	vst v36  }
0xf2: {  	v61 =	vadd.f32 v26, v11;
	v34 =	vld [tilespmem:s30+$0xFFFFFE80];
	[tilespmem:s28+$0xFFFFFF80] =	vst v60  }
0xf3: {  	v29 =	vadd.f32 v29, v43;
	v32 =	vld [tilespmem:s30+$0xFFFFFE90];
	[tilespmem:s28+$0xFFFFFF90] =	vst v28  }
0xf4: {  	v23 =	vadd.f32 v35, v43;
	v26 =	vld [tilespmem:s30+$0xFFFFFEA0];
	[tilespmem:s28+$0xFFFFFFA0] =	vst v61  }
0xf5: {  	v2 =	vmul.f32 v17, v7;
	v56 =	vmul.f32 v15, v8;
	[tilespmem:s28+$0xFFFFFFB0] =	vst v29;
	v60 =	vld [tilespmem:$0x1FFC0]  }
0xf6: {  	v63 =	vadd.f32 v25, v9;
	v1 =	vmul.f32 v21, v6;
	v53 =	vmul.f32 v16, v6;
	[tilespmem:s28+$0xFFFFFF30] =	vst v23;
	v36 =	vld [tilespmem:s30+$0xFFFFFF80]  }
0xf7: {  	[tilespmem:$0x1FEB0] =	vst v49;
	v62 =	vadd.f32 v49, v18;
	v41 =	vmul.f32 v49, v49;
	v49 =	vadd.f32 v27, v10;
	v27 =	vld [tilespmem:s30+$0xFFFFFEB0]  }
0xf8: {  	[tilespmem:$0x1FEA0] =	vst v56;
	v39 =	vadd.f32 v58, v51;
	v40 =	vmul.f32 v18, v18;
	v42 =	vmul.f32 v51, v51;
	v28 =	vld [tilespmem:s30+$0xFFFFFF00]  }
0xf9: {  	v48 =	vmul.f32 v58, v58;
	[tilespmem:$0x1FE90] =	vst v57;
	v44 =	vmul.f32 v57, v57;
	v57 =	vadd.f32 v31, v57;
	v29 =	vld [tilespmem:s30+$0xFFFFFF10]  }
0xfa: {  	v50 =	vmul.f32 v31, v31;
	v35 =	vld [tilespmem:s30+$0xFFFFFF30];
	[tilespmem:$0x1FE50] =	vst v53;
	v53 =	vadd.f32 v30, v11;
	v38 =	vadd.f32 v39, v62  }
0xfb: {  	[tilespmem:$0x1FEC0] =	vst v51;
	v54 =	vmul.f32 v20, v20;
	v30 =	vld [tilespmem:s30+$0xFFFFFF20];
	v40 =	vadd.f32 v41, v40;
	v51 =	vadd.f32 v48, v42  }
0xfc: {  	[tilespmem:s28+$0x0] =	vst v63;
	v24 =	vadd.f32 v50, v44;
	v39 =	vld [tilespmem:s30+$0xFFFFFFA0];
	v52 =	vmul.f32 v34, v34;
	v61 =	vmul.f32 v32, v32  }
0xfd: {  	[tilespmem:s28+$0x10] =	vst v49;
	v41 =	vld [tilespmem:s30+$0xFFFFFFB0];
	v55 =	vadd.f32 v32, v34;
	v62 =	vmul.f32 v26, v26;
	v40 =	vadd.f32 v51, v40  }
0xfe: {  	v44 =	vld [tilespmem:s30+$0x80];
	[tilespmem:s28+$0x20] =	vst v53;
	v56 =	vperm.xlane v38, v60;
	v45 =	vadd.f32 v27, v26;
	v23 =	vadd.f32 v61, v52  }
0xff: {  	[tilespmem:$0x1FDF0] =	vst v0;
	v42 =	vld [tilespmem:s30+$0x10];
	v0 =	vmul.f32 v27, v27;
	v47 =	vmul.f32 v28, v28;
	v48 =	vadd.f32 v29, v28  }
0x100: {  	v43 =	vld [tilespmem:s30+$0x20];
	v51 =	vmul.f32 v29, v29;
	v46 =	vadd.f32 v38, v56;
	v63 =	vperm.xlane v40, v60  }
0x101: {  	[tilespmem:$0x1FE10] =	vst v1;
	v38 =	vld [tilespmem:s30+$0xFFFFFF90];
	v52 =	vmul.f32 v30, v30;
	v1 =	vadd.f32 v35, v30;
	v56 =	vadd.f32 v45, v55  }
0x102: {  	v53 =	vld [tilespmem:$0x1FFE0];
	v61 =	vadd.f32 v0, v62;
	v55 =	vmul.f32 v35, v35;
	v62 =	vmul.f32 v36, v36  }
0x103: {  	v12 =	vmul.f32 v39, v39;
	v45 =	vld [tilespmem:s30+$0x30];
	v21 =	vadd.f32 v51, v47;
	v49 =	vperm.xlane v46, v22  }
0x104: {  	v47 =	vld [tilespmem:s30+$0xA0];
	v16 =	vmul.f32 v44, v44;
	v50 =	vadd.f32 v63, v40;
	v37 =	vadd.f32 v1, v48  }
0x105: {  	[tilespmem:$0x1FDC0] =	vst v18;
	v40 =	vld [tilespmem:s30+$0x0];
	v19 =	vadd.f32 v55, v52;
	v18 =	vmul.f32 v42, v42;
	v46 =	vadd.f32 v46, v49  }
0x106: {  	v25 =	vld [tilespmem:s30+$0xFFFFFE00];
	[tilespmem:$0x1FE30] =	vst v2;
	v52 =	vmul.f32 v43, v43;
	v2 =	vperm.xlane v50, v22;
	v63 =	vadd.f32 v38, v36  }
0x107: {  	[tilespmem:$0x1FDE0] =	vst v4;
	v1 =	vmul.f32 v38, v38;
	v19 =	vadd.f32 v19, v21;
	v4 =	vperm.xlane v46, v53  }
0x108: {  	v49 =	vadd.f32 v2, v50;
	v50 =	vadd.f32 v41, v39;
	v2 =	vmul.f32 v41, v41  }
0x109: {  	v48 =	vld [tilespmem:s30+$0x100];
	v55 =	vadd.f32 v45, v43;
	v10 =	vmul.f32 v45, v45;
	v8 =	vmul.f32 v47, v47  }
0x10a: {  	v13 =	vadd.f32 v42, v40;
	v4 =	vadd.f32 v46, v4;
	v33 =	vperm.xlane v49, v53;
	v46 =	vld [tilespmem:s30+$0x90]  }
0x10b: {  	v63 =	vadd.f32 v50, v63;
	v50 =	vld [tilespmem:s30+$0x110];
	v15 =	vadd.f32 v2, v12;
	v2 =	vmul.f32 v25, v25  }
0x10c: {  	[tilespmem:$0x1FDD0] =	vst v14;
	v51 =	vld [tilespmem:s30+$0x120];
	v14 =	vmul.f32 v40, v40;
	v62 =	vadd.f32 v1, v62;
	v10 =	vadd.f32 v10, v52  }
0x10d: {  	v0 =	vperm.xlane v4, v59;
	v11 =	vadd.f32 v33, v49;
	v49 =	vld [tilespmem:s30+$0xB0];
	v2 =	vadd.f32 v54, v2  }
0x10e: {  	v6 =	vmul.f32 v48, v48;
	v13 =	vadd.f32 v55, v13;
	v15 =	vadd.f32 v15, v62  }
0x10f: {  	v4 =	vadd.f32 v4, v0;
	v33 =	vperm.xlane v11, v59;
	v2 =	vadd.f32 v24, v2  }
0x110: {  	v7 =	vadd.f32 v46, v44;
	v9 =	vmul.f32 v46, v46;
	v5 =	vadd.f32 v50, v48  }
0x111: {  	v0 =	vadd.f32 v33, v11;
	v17 =	vmul.f32 $1.562500000e-02, v4;
	v4 =	vmul.f32 v50, v50  }
0x112: {  	v33 =	vld [tilespmem:s30+$0x130];
	v11 =	vadd.f32 v18, v14;
	v14 =	vmul.f32 v51, v51;
	v3 =	vadd.f32 v49, v47  }
0x113: {  	v12 =	vmul.f32 v49, v49;
	v9 =	vadd.f32 v9, v16;
	v1 =	vmul.f32 $1.562500000e-02, v0  }
0x114: {  	v0 =	vmul.f32 v17, v17;
	v4 =	vadd.f32 v4, v6;
	v10 =	vadd.f32 v10, v11  }
0x115: {  	v11 =	vperm.xlane v13, v60;
	v3 =	vadd.f32 v3, v7;
	v8 =	vadd.f32 v12, v8  }
0x116: {  	[tilespmem:$0x1FE70] =	vst v20;
	v0 =	vsub.f32 v1, v0;
	v1 =	vadd.f32 v20, v25;
	v20 =	vperm.xlane v37, v60  }
0x117: {  	v11 =	vadd.f32 v13, v11;
	v13 =	vperm.xlane v10, v60;
	v18 =	vadd.f32 v33, v51  }
0x118: {  	v55 =	vmul.f32 v33, v33;
	v8 =	vadd.f32 v8, v9;
	v0 =	vadd.f32 $9.999999740e-06, v0  }
0x119: {  	v9 =	vperm.xlane v3, v60;
	v1 =	vadd.f32 v57, v1;
	v20 =	vadd.f32 v37, v20  }
0x11a: {  	v57 =	vperm.xlane v63, v60;
	v10 =	vadd.f32 v13, v10;
	v5 =	vadd.f32 v18, v5  }
0x11b: {  	v37 =	vperm.xlane v19, v60;
	v6 =	vadd.f32 v55, v14;
	v14 =	vadd.f32 v61, v23  }
0x11c: {  	v18 =	vperm.xlane v56, v60;
	v61 =	vperm.xlane v15, v60;
	v3 =	vadd.f32 v3, v9  }
0x11d: {  	v9 =	vperm.xlane v8, v60;
	v7 =	vshra.s32 v0, $0x1;
	v0 =	vmul.f32 $5.000000000e-01, v0  }
0x11e: {  	v16 =	vperm.xlane v1, v60;
	v52 =	vadd.f32 v63, v57;
	v63 =	vsub.f32 $0.0e+00, v17  }
0x11f: {  	v17 =	vadd.f32 v37, v19;
	v19 =	vperm.xlane v11, v22;
	v7 =	vsub.s32 $0x5F3759DF, v7  }
0x120: {  	v4 =	vadd.f32 v6, v4;
	v6 =	vperm.xlane v5, v60;
	v12 =	vmul.f32 v7, v0  }
0x121: {  	v15 =	vadd.f32 v61, v15;
	v13 =	vperm.xlane v3, v22;
	v8 =	vadd.f32 v9, v8  }
0x122: {  	v1 =	vadd.f32 v1, v16;
	v16 =	vadd.f32 v56, v18;
	v12 =	vmul.f32 v7, v12  }
0x123: {  	v18 =	vperm.xlane v14, v60;
	v11 =	vadd.f32 v11, v19;
	v19 =	vperm.xlane v10, v22  }
0x124: {  	v3 =	vadd.f32 v3, v13;
	v13 =	vperm.xlane v8, v22;
	v12 =	vsub.f32 $1.500000000e+00, v12  }
0x125: {  	v5 =	vadd.f32 v5, v6;
	v6 =	vperm.xlane v1, v22;
	v62 =	vperm.xlane v16, v22  }
0x126: {  	v61 =	vperm.xlane v11, v53;
	v10 =	vadd.f32 v19, v10;
	v7 =	vmul.f32 v7, v12  }
0x127: {  	v19 =	vperm.xlane v3, v53;
	v8 =	vadd.f32 v13, v8;
	v12 =	vperm.xlane v2, v60  }
0x128: {  	v1 =	vadd.f32 v1, v6;
	v6 =	vperm.xlane v5, v22;
	v0 =	vmul.f32 v7, v0  }
0x129: {  	v11 =	vadd.f32 v11, v61;
	v2 =	vadd.f32 v12, v2;
	v12 =	vperm.xlane v4, v60  }
0x12a: {  	v3 =	vadd.f32 v3, v19;
	v19 =	vperm.xlane v8, v53;
	v0 =	vmul.f32 v0, v7  }
0x12b: {  	v5 =	vadd.f32 v5, v6;
	v4 =	vadd.f32 v12, v4;
	v9 =	vperm.xlane v2, v22  }
0x12c: {  	v60 =	vperm.xlane v1, v53;
	v12 =	vadd.f32 v16, v62;
	v0 =	vsub.f32 $1.500000000e+00, v0  }
0x12d: {  	v62 =	vperm.xlane v5, v53;
	v6 =	vperm.xlane v4, v22;
	v2 =	vadd.f32 v9, v2  }
0x12e: {  	v8 =	vadd.f32 v19, v8;
	v9 =	vperm.xlane v12, v53;
	v56 =	vmul.f32 v0, v7  }
0x12f: {  	v16 =	vld [tilespmem:$0x1FF80];
	v7 =	vadd.f32 v18, v14;
	v4 =	vadd.f32 v6, v4;
	v6 =	vperm.xlane v2, v53  }
0x130: {  	v9 =	vadd.f32 v12, v9;
	v54 =	vmul.f32 v56, v63;
	v57 =	vmul.f32 v56, v58  }
0x131: {  	v21 =	vld [tilespmem:$0x1FF40];
	v14 =	vperm.xlane v20, v22;
	v18 =	vperm.xlane v52, v22;
	v2 =	vadd.f32 v6, v2  }
0x132: {  	v6 =	vperm.xlane v4, v53;
	v63 =	vperm.xlane v9, v59;
	v0 =	vadd.f32 v54, v57  }
0x133: {  	v14 =	vadd.f32 v20, v14;
	v20 =	vperm.xlane v17, v22;
	v18 =	vadd.f32 v52, v18  }
0x134: {  	v4 =	vadd.f32 v6, v4;
	v6 =	vadd.f32 v9, v63;
	v0 =	vmul.f32 v0, v16  }
0x135: {  	v58 =	vperm.xlane v15, v22;
	v17 =	vadd.f32 v20, v17;
	v16 =	vperm.xlane v7, v22  }
0x136: {  	v20 =	vperm.xlane v18, v53;
	v6 =	vmul.f32 $1.562500000e-02, v6;
	v0 =	vadd.f32 v0, v21  }
0x137: {  	s28 =	sadd.s32 $0x400, s28;
	v15 =	vadd.f32 v58, v15;
	v7 =	vadd.f32 v16, v7;
	v16 =	vperm.xlane v14, v53  }
0x138: {  	v21 =	vsub.f32 $0.0e+00, v6;
	v6 =	vmul.f32 v6, v6;
	[tilespmem:s28+$0x1B0] =	vst v0;
	v0 =	vadd.f32 v1, v60  }
0x139: {  	v12 =	vperm.xlane v7, v53;
	v13 =	vadd.f32 v14, v16;
	v14 =	vperm.xlane v17, v53  }
0x13a: {  	v16 =	vadd.f32 v18, v20;
	v18 =	vperm.xlane v15, v53;
	v20 =	vperm.xlane v10, v53  }
0x13b: {  	v1 =	vadd.f32 v5, v62;
	v5 =	vperm.xlane v0, v59;
	v7 =	vadd.f32 v12, v7  }
0x13c: {  	v12 =	vperm.xlane v13, v59;
	v14 =	vadd.f32 v14, v17;
	v17 =	vperm.xlane v16, v59  }
0x13d: {  	v15 =	vadd.f32 v18, v15;
	v18 =	vperm.xlane v11, v59;
	v10 =	vadd.f32 v20, v10  }
0x13e: {  	v20 =	vperm.xlane v3, v59;
	v19 =	vperm.xlane v1, v59;
	v0 =	vadd.f32 v0, v5  }
0x13f: {  	v5 =	vperm.xlane v2, v59;
	v9 =	vperm.xlane v7, v59;
	v12 =	vadd.f32 v13, v12  }
0x140: {  	v13 =	vperm.xlane v14, v59;
	v16 =	vadd.f32 v16, v17;
	v17 =	vperm.xlane v15, v59  }
0x141: {  	v11 =	vadd.f32 v11, v18;
	v18 =	vperm.xlane v10, v59;
	v3 =	vadd.f32 v3, v20  }
0x142: {  	v20 =	vperm.xlane v8, v59;
	v1 =	vadd.f32 v1, v19;
	v2 =	vadd.f32 v5, v2  }
0x143: {  	v5 =	vperm.xlane v4, v59;
	v0 =	vmul.f32 $1.562500000e-02, v0;
	v7 =	vadd.f32 v9, v7  }
0x144: {  	v9 =	vadd.f32 v13, v14;
	v12 =	vmul.f32 $1.562500000e-02, v12;
	v13 =	vadd.f32 v17, v15  }
0x145: {  	v14 =	vmul.f32 $1.562500000e-02, v16;
	v10 =	vadd.f32 v18, v10;
	v11 =	vmul.f32 $1.562500000e-02, v11  }
0x146: {  	v8 =	vadd.f32 v20, v8;
	v3 =	vmul.f32 $1.562500000e-02, v3;
	v1 =	vmul.f32 $1.562500000e-02, v1  }
0x147: {  	v2 =	vmul.f32 $1.562500000e-02, v2;
	v55 =	vsub.f32 $0.0e+00, v0;
	v0 =	vmul.f32 v0, v0  }
0x148: {  	v4 =	vadd.f32 v5, v4;
	v5 =	vmul.f32 $1.562500000e-02, v7;
	v7 =	vmul.f32 $1.562500000e-02, v9  }
0x149: {  	v58 =	vsub.f32 $0.0e+00, v12;
	v52 =	vmul.f32 v12, v12;
	v9 =	vmul.f32 $1.562500000e-02, v13  }
0x14a: {  	v10 =	vmul.f32 $1.562500000e-02, v10;
	v63 =	vsub.f32 $0.0e+00, v14;
	v62 =	vsub.f32 $0.0e+00, v11  }
0x14b: {  	v8 =	vmul.f32 $1.562500000e-02, v8;
	v53 =	vsub.f32 $0.0e+00, v3;
	v22 =	vsub.f32 $0.0e+00, v1  }
0x14c: {  	v0 =	vsub.f32 v2, v0;
	v5 =	vsub.f32 v5, v6;
	v6 =	vmul.f32 v14, v14  }
0x14d: {  	v2 =	vsub.f32 v7, v52;
	v7 =	vmul.f32 v11, v11;
	v4 =	vmul.f32 $1.562500000e-02, v4  }
0x14e: {  	v6 =	vsub.f32 v9, v6;
	v9 =	vmul.f32 v3, v3;
	v0 =	vadd.f32 $9.999999740e-06, v0  }
0x14f: {  	v7 =	vsub.f32 v10, v7;
	v10 =	vmul.f32 v1, v1;
	v5 =	vadd.f32 $9.999999740e-06, v5  }
0x150: {  	v2 =	vadd.f32 $9.999999740e-06, v2;
	v8 =	vsub.f32 v8, v9;
	v12 =	vshra.s32 v0, $0x1  }
0x151: {  	v4 =	vsub.f32 v4, v10;
	v0 =	vmul.f32 $5.000000000e-01, v0;
	v6 =	vadd.f32 $9.999999740e-06, v6  }
0x152: {  	v7 =	vadd.f32 $9.999999740e-06, v7;
	v10 =	vshra.s32 v5, $0x1;
	v5 =	vmul.f32 $5.000000000e-01, v5  }
0x153: {  	v13 =	vshra.s32 v2, $0x1;
	v2 =	vmul.f32 $5.000000000e-01, v2;
	v12 =	vsub.s32 $0x5F3759DF, v12  }
0x154: {  	v10 =	vsub.s32 $0x5F3759DF, v10;
	v13 =	vsub.s32 $0x5F3759DF, v13;
	v15 =	vshra.s32 v6, $0x1  }
0x155: {  	v6 =	vmul.f32 $5.000000000e-01, v6;
	v16 =	vshra.s32 v7, $0x1;
	v7 =	vmul.f32 $5.000000000e-01, v7  }
0x156: {  	v9 =	vld [tilespmem:$0x1FDC0];
	v8 =	vadd.f32 $9.999999740e-06, v8;
	v19 =	vmul.f32 v12, v0;
	v20 =	vmul.f32 v10, v5  }
0x157: {  	v14 =	vmul.f32 v13, v2;
	v15 =	vsub.s32 $0x5F3759DF, v15;
	v16 =	vsub.s32 $0x5F3759DF, v16  }
0x158: {  	v17 =	vshra.s32 v8, $0x1;
	v8 =	vmul.f32 $5.000000000e-01, v8;
	v37 =	vmul.f32 v15, v6  }
0x159: {  	v4 =	vadd.f32 $9.999999740e-06, v4;
	v11 =	vmul.f32 v16, v7;
	v3 =	vmul.f32 v12, v19  }
0x15a: {  	v60 =	vmul.f32 v10, v20;
	v14 =	vmul.f32 v13, v14;
	v17 =	vsub.s32 $0x5F3759DF, v17  }
0x15b: {  	v18 =	vshra.s32 v4, $0x1;
	v9 =	vmul.f32 v56, v9;
	v52 =	vmul.f32 v17, v8  }
0x15c: {  	v3 =	vsub.f32 $1.500000000e+00, v3;
	v11 =	vmul.f32 v16, v11;
	v1 =	vsub.f32 $1.500000000e+00, v60  }
0x15d: {  	v57 =	vadd.f32 v54, v9;
	v9 =	vmul.f32 v15, v37;
	v20 =	vmul.f32 v17, v52  }
0x15e: {  	v3 =	vmul.f32 v12, v3;
	v1 =	vmul.f32 v10, v1;
	v10 =	vsub.f32 $1.500000000e+00, v11  }
0x15f: {  	v4 =	vmul.f32 $5.000000000e-01, v4;
	v12 =	vsub.f32 $1.500000000e+00, v14;
	v9 =	vsub.f32 $1.500000000e+00, v9  }
0x160: {  	v14 =	vld [tilespmem:$0x1FF40];
	v11 =	vsub.f32 $1.500000000e+00, v20;
	v10 =	vmul.f32 v16, v10;
	v0 =	vmul.f32 v3, v0  }
0x161: {  	v5 =	vmul.f32 v1, v5;
	v9 =	vmul.f32 v15, v9;
	v15 =	vld [tilespmem:$0x1FDD0]  }
0x162: {  	v11 =	vmul.f32 v17, v11;
	v7 =	vmul.f32 v10, v7  }
0x163: {  	v0 =	vmul.f32 v0, v3;
	v6 =	vmul.f32 v9, v6  }
0x164: {  	v18 =	vsub.s32 $0x5F3759DF, v18;
	v5 =	vmul.f32 v5, v1;
	v8 =	vmul.f32 v11, v8  }
0x165: {  	v16 =	vld [tilespmem:$0x1FDE0];
	v0 =	vsub.f32 $1.500000000e+00, v0;
	v7 =	vmul.f32 v7, v10;
	v6 =	vmul.f32 v6, v9  }
0x166: {  	v5 =	vsub.f32 $1.500000000e+00, v5;
	v14 =	vadd.f32 v15, v14;
	v15 =	vld [tilespmem:$0x1FF90];
	v8 =	vmul.f32 v8, v11  }
0x167: {  	v0 =	vmul.f32 v0, v3;
	v3 =	vsub.f32 $1.500000000e+00, v6;
	v6 =	vsub.f32 $1.500000000e+00, v7;
	v7 =	vld [tilespmem:$0x1FFB0]  }
0x168: {  	v19 =	vmul.f32 v18, v4;
	v1 =	vmul.f32 v5, v1;
	v5 =	vsub.f32 $1.500000000e+00, v8;
	v8 =	vld [tilespmem:$0x1FE40]  }
0x169: {  	v12 =	vmul.f32 v13, v12;
	[tilespmem:s26+$0x30] =	vst v14;
	v14 =	vld [tilespmem:$0x1FFA0]  }
0x16a: {  	v19 =	vmul.f32 v18, v19;
	v3 =	vmul.f32 v3, v9;
	v9 =	vld [tilespmem:$0x1FE50]  }
0x16b: {  	v2 =	vmul.f32 v12, v2;
	v15 =	vadd.f32 v16, v15;
	v16 =	vld [tilespmem:$0x1FDF0]  }
0x16c: {  	v13 =	vsub.f32 $1.500000000e+00, v19;
	v6 =	vmul.f32 v6, v10;
	v10 =	vld [tilespmem:$0x1FE60]  }
0x16d: {  	v2 =	vmul.f32 v2, v12;
	v7 =	vadd.f32 v8, v7;
	v8 =	vld [tilespmem:$0x1FF40]  }
0x16e: {  	v13 =	vmul.f32 v18, v13;
	[tilespmem:s26+$0x80] =	vst v15;
	v15 =	vld [tilespmem:$0x1FFB0]  }
0x16f: {  	v2 =	vsub.f32 $1.500000000e+00, v2;
	[tilespmem:s26+$0x120] =	vst v7;
	v7 =	vld [tilespmem:$0x1FF90]  }
0x170: {  	v4 =	vmul.f32 v13, v4;
	v14 =	vadd.f32 v16, v14;
	v16 =	vld [tilespmem:$0x1FE00]  }
0x171: {  	v2 =	vmul.f32 v2, v12;
	v12 =	vld [tilespmem:$0x1FE80]  }
0x172: {  	v4 =	vmul.f32 v4, v13;
	v5 =	vmul.f32 v5, v11;
	v11 =	vld [tilespmem:$0x1FE70];
	v8 =	vadd.f32 v9, v8  }
0x173: {  	[tilespmem:s26+$0x90] =	vst v14;
	v14 =	vld [tilespmem:$0x1FF40]  }
0x174: {  	v4 =	vsub.f32 $1.500000000e+00, v4;
	[tilespmem:s26+$0x130] =	vst v8;
	v8 =	vld [tilespmem:$0x1FFA0]  }
0x175: {  	v7 =	vadd.f32 v10, v7;
	v15 =	vadd.f32 v16, v15;
	v16 =	vld [tilespmem:$0x1FE10]  }
0x176: {  	v4 =	vmul.f32 v4, v13;
	v13 =	vld [tilespmem:$0x1FEA0]  }
0x177: {  	[tilespmem:s26+$0x180] =	vst v7;
	v7 =	vld [tilespmem:$0x1FFB0]  }
0x178: {  	[tilespmem:s26+$0xA0] =	vst v15;
	v15 =	vld [tilespmem:$0x1FF90]  }
0x179: {  	v8 =	vadd.f32 v12, v8;
	v12 =	vld [tilespmem:$0x1FE90]  }
0x17a: {  	v14 =	vadd.f32 v16, v14;
	v16 =	vld [tilespmem:$0x1FE20];
	_ =	sdelay $0x1  }
0x17b: {  	v9 =	vmul.f32 v0, v55;
	v10 =	vmul.f32 v0, v25  }
0x17c: {  	v17 =	vmul.f32 v2, v30;
	v18 =	vmul.f32 v3, v63  }
0x17d: {  	v19 =	vmul.f32 v3, v36;
	v11 =	vmul.f32 v0, v11;
	v10 =	vadd.f32 v9, v10;
	[tilespmem:s26+$0xB0] =	vst v14;
	v14 =	vld [tilespmem:$0x1FFA0]  }
0x17e: {  	v7 =	vadd.f32 v13, v7;
	v12 =	vmul.f32 v0, v12;
	v15 =	vadd.f32 v16, v15;
	v16 =	vld [tilespmem:$0x1FE30]  }
0x17f: {  	v13 =	vmul.f32 v1, v21;
	[tilespmem:s26+$0x190] =	vst v8;
	v8 =	vadd.f32 v9, v11;
	v0 =	vmul.f32 v0, v31  }
0x180: {  	v11 =	vmul.f32 v1, v32;
	v21 =	vmul.f32 v3, v39;
	[tilespmem:s26+$0x1A0] =	vst v7;
	v7 =	vadd.f32 v9, v12  }
0x181: {  	v12 =	vmul.f32 v2, v58;
	v0 =	vadd.f32 v9, v0;
	v9 =	vmul.f32 v2, v28  }
0x182: {  	v28 =	vmul.f32 v5, v47;
	v47 =	vadd.f32 v18, v21;
	v21 =	vld [tilespmem:$0x1FEC0];
	[tilespmem:s26+$0x100] =	vst v15;
	v15 =	vmul.f32 v1, v26  }
0x183: {  	v9 =	vadd.f32 v12, v9;
	v14 =	vadd.f32 v16, v14;
	v16 =	vmul.f32 v2, v29  }
0x184: {  	v26 =	vadd.f32 v12, v17;
	v17 =	vmul.f32 v5, v53;
	v2 =	vmul.f32 v2, v35  }
0x185: {  	[tilespmem:s26+$0x110] =	vst v14;
	v14 =	vmul.f32 v1, v34;
	v1 =	vmul.f32 v1, v27;
	v25 =	vadd.f32 v12, v16  }
0x186: {  	v27 =	vmul.f32 v5, v44;
	v2 =	vadd.f32 v12, v2;
	v12 =	vmul.f32 v5, v46  }
0x187: {  	v5 =	vmul.f32 v5, v49;
	v49 =	vmul.f32 v56, v21;
	v21 =	vld [tilespmem:$0x1FF50]  }
0x188: {  	v20 =	vmul.f32 v3, v38;
	v23 =	vmul.f32 v6, v40  }
0x189: {  	v29 =	vadd.f32 v18, v19;
	v19 =	vmul.f32 v4, v22;
	v22 =	vadd.f32 v17, v12;
	v12 =	vld [tilespmem:$0x1FF80]  }
0x18a: {  	v24 =	vmul.f32 v6, v42;
	v30 =	vadd.f32 v18, v20;
	v20 =	vmul.f32 v4, v48  }
0x18b: {  	v60 =	vld [tilespmem:$0x1FF60];
	v48 =	vmul.f32 v4, v51;
	v3 =	vmul.f32 v3, v41;
	v11 =	vadd.f32 v13, v11  }
0x18c: {  	v15 =	vadd.f32 v13, v15;
	v16 =	vmul.f32 v6, v43;
	v10 =	vmul.f32 v10, v21;
	v21 =	vld [tilespmem:$0x1FF60]  }
0x18d: {  	v55 =	vld [tilespmem:$0x1FF50];
	v14 =	vadd.f32 v13, v14;
	v1 =	vadd.f32 v13, v1;
	v13 =	vmul.f32 v6, v62  }
0x18e: {  	v3 =	vadd.f32 v18, v3;
	v6 =	vmul.f32 v6, v45;
	v0 =	vmul.f32 v0, v12;
	v12 =	vld [tilespmem:$0x1FF60]  }
0x18f: {  	v63 =	vld [tilespmem:$0x1FF80];
	v31 =	vmul.f32 v4, v50;
	v50 =	vadd.f32 v13, v23;
	v51 =	vadd.f32 v13, v24  }
0x190: {  	v52 =	vadd.f32 v13, v16;
	v6 =	vadd.f32 v13, v6;
	v13 =	vld [tilespmem:$0x1FF70]  }
0x191: {  	v18 =	vld [tilespmem:$0x1FEB0];
	v53 =	vadd.f32 v17, v27;
	v23 =	vadd.f32 v17, v28;
	v8 =	vmul.f32 v8, v21  }
0x192: {  	v21 =	vadd.f32 v17, v5;
	v17 =	vadd.f32 v19, v31;
	v31 =	vmul.f32 v9, v55;
	v9 =	vld [tilespmem:$0x1FFB0]  }
0x193: {  	v11 =	vmul.f32 v11, v12;
	v12 =	vld [tilespmem:$0x1FF90]  }
0x194: {  	v58 =	vld [tilespmem:$0x1FF50]  }
0x195: {  	v43 =	vld [tilespmem:$0x1FF40];
	v7 =	vmul.f32 v7, v13  }
0x196: {  	v18 =	vmul.f32 v56, v18;
	v56 =	vld [tilespmem:$0x1FFA0]  }
0x197: {  	v7 =	vadd.f32 v7, v9;
	v9 =	vld [tilespmem:$0x1FF80]  }
0x198: {  	v10 =	vadd.f32 v10, v12;
	v12 =	vld [tilespmem:$0x1FF80]  }
0x199: {  	v62 =	vld [tilespmem:$0x1FF80]  }
0x19a: {  	v5 =	vld [tilespmem:$0x1FF50]  }
0x19b: {  	[tilespmem:s28+$0xFFFFFE00] =	vst v10;
	v10 =	vld [tilespmem:$0x1FFA0]  }
0x19c: {  	v4 =	vmul.f32 v4, v33;
	v35 =	vmul.f32 v2, v9;
	v9 =	vld [tilespmem:$0x1FF90]  }
0x19d: {  	v12 =	vmul.f32 v1, v12;
	v1 =	vadd.f32 v8, v56;
	v8 =	vld [tilespmem:$0x1FF60]  }
0x19e: {  	v16 =	vadd.f32 v19, v4;
	v4 =	vld [tilespmem:$0x1FF70]  }
0x19f: {  	v5 =	vmul.f32 v14, v5;
	[tilespmem:s28+$0xFFFFFE20] =	vst v7;
	v7 =	vld [tilespmem:$0x1FF60]  }
0x1a0: {  	v33 =	vadd.f32 v11, v10;
	v11 =	vld [tilespmem:$0x1FFB0]  }
0x1a1: {  	v61 =	vadd.f32 v5, v9;
	v5 =	vld [tilespmem:$0x1FF50]  }
0x1a2: {  	s29 =	sadd.s32 $0x8, s29;
	v32 =	vmul.f32 v25, v8;
	v8 =	vld [tilespmem:$0x1FF70]  }
0x1a3: {  	p0 =	slt.u32 s29, $0x78;
	v24 =	vmul.f32 v29, v58;
	v28 =	vmul.f32 v30, v60  }
.Ltmp2:
0x1a4: {  	v29 =	vmul.f32 v3, v62;
	v13 =	vadd.f32 v19, v20;
	v0 =	vadd.f32 v0, v43;
	(pc) =	sbr.rel @p0 .LBB2_3-.Ltmp2, $4  }
0x1a5: {  	v20 =	vadd.f32 v19, v48;
	v4 =	vmul.f32 v15, v4;
	v14 =	vmul.f32 v6, v63  }
0x1a6: {  	v15 =	vadd.f32 v54, v49;
	[tilespmem:s28+$0xFFFFFE30] =	vst v0;
	v27 =	vmul.f32 v51, v7;
	v25 =	vmul.f32 v50, v5  }
0x1a7: {  	[tilespmem:s28+$0xFFFFFE10] =	vst v1;
	v34 =	vadd.f32 v4, v11;
	v4 =	vmul.f32 v53, v5;
	v36 =	vmul.f32 v26, v8  }
0x1a8: {  	s30 =	sadd.s32 $0x400, s30;
	s26 =	smov.u32 s28;
	v19 =	vadd.f32 v54, v18;
	v6 =	vld [tilespmem:$0x1FF80];
	[tilespmem:s28+$0xFFFFFE80] =	vst v61;
	v26 =	vmul.f32 v47, v8;
	v30 =	vmul.f32 v52, v8  }
0x1a9: {  	[tilespmem:s28+$0xFFFFFE90] =	vst v33;
	v0 =	vadd.f32 v12, v43  }
0x1aa: {  	[tilespmem:s28+$0xFFFFFEA0] =	vst v34;
	v1 =	vadd.f32 v31, v9  }
0x1ab: {  	v2 =	vadd.f32 v28, v10;
	[tilespmem:s28+$0xFFFFFEB0] =	vst v0  }
0x1ac: {  	v0 =	vadd.f32 v32, v10;
	[tilespmem:s28+$0xFFFFFF00] =	vst v1  }
0x1ad: {  	v1 =	vadd.f32 v36, v11;
	[tilespmem:s28+$0xFFFFFF90] =	vst v2  }
0x1ae: {  	v2 =	vadd.f32 v25, v9;
	[tilespmem:s28+$0xFFFFFF10] =	vst v0  }
0x1af: {  	v0 =	vadd.f32 v35, v43;
	[tilespmem:s28+$0xFFFFFF20] =	vst v1  }
0x1b0: {  	v1 =	vadd.f32 v24, v9;
	[tilespmem:s28+$0x0] =	vst v2  }
0x1b1: {  	[tilespmem:s28+$0xFFFFFF30] =	vst v0;
	v0 =	vadd.f32 v26, v11  }
0x1b2: {  	[tilespmem:s28+$0xFFFFFF80] =	vst v1;
	v1 =	vadd.f32 v29, v43  }
0x1b3: {  	[tilespmem:s28+$0xFFFFFFA0] =	vst v0;
	v0 =	vadd.f32 v27, v10  }
0x1b4: {  	[tilespmem:s28+$0xFFFFFFB0] =	vst v1;
	v1 =	vadd.f32 v30, v11  }
0x1b5: {  	v2 =	vmul.f32 v22, v7;
	[tilespmem:s28+$0x10] =	vst v0;
	v0 =	vadd.f32 v14, v43  }
0x1b6: {  	v3 =	vmul.f32 v23, v8;
	[tilespmem:s28+$0x20] =	vst v1;
	v1 =	vadd.f32 v4, v9  }
0x1b7: {  	v4 =	vmul.f32 v21, v6;
	[tilespmem:s26+$0x30] =	vst v0;
	v0 =	vadd.f32 v2, v10  }
0x1b8: {  	v2 =	vmul.f32 v13, v5;
	[tilespmem:s26+$0x80] =	vst v1;
	v1 =	vadd.f32 v3, v11  }
0x1b9: {  	v3 =	vmul.f32 v17, v7;
	[tilespmem:s26+$0x90] =	vst v0;
	v0 =	vadd.f32 v4, v43  }
0x1ba: {  	v4 =	vmul.f32 v20, v8;
	[tilespmem:s26+$0xA0] =	vst v1;
	v1 =	vadd.f32 v2, v9  }
0x1bb: {  	v2 =	vmul.f32 v16, v6;
	[tilespmem:s26+$0xB0] =	vst v0;
	v0 =	vadd.f32 v3, v10  }
0x1bc: {  	v3 =	vmul.f32 v57, v5;
	[tilespmem:s26+$0x100] =	vst v1;
	v1 =	vadd.f32 v4, v11  }
0x1bd: {  	v4 =	vmul.f32 v19, v7;
	[tilespmem:s26+$0x110] =	vst v0;
	v0 =	vadd.f32 v2, v43  }
0x1be: {  	v2 =	vmul.f32 v15, v8;
	[tilespmem:s26+$0x120] =	vst v1;
	v1 =	vadd.f32 v3, v9  }
0x1bf: {  	s28 =	sshll.u32 s24, $0xF;
	[tilespmem:s26+$0x130] =	vst v0;
	v0 =	vadd.f32 v4, v10  }
0x1c0: {  	p0 =	seq.s32 s24, $0x63;
	s28 =	sadd.s32 s8, s28;
	[tilespmem:s26+$0x180] =	vst v1;
	v1 =	vadd.f32 v2, v11  }
0x1c1: {  	p1 =	seq.s32 @!p0 s24, $0x0;
	s28 =	sshrl.u32 s28, $0x3;
	[tilespmem:s26+$0x190] =	vst v0  }
0x1c2: {  	s29 =	simm.s32 @!p0 $0x6400;
	s31 =	sadd.s32 s6, s28;
	[tilespmem:s26+$0x1A0] =	vst v1;
	s26 =	sshrl.u32 @!p0 s25, $0x2  }
0x1c3: {  	[hbm4b:s31+s3] =	stream.linear.scatter [tilespmem:s18], [sflag:$0x3], $0x4000, $0x38;
	[tilespmem:$0x16500] =	vst v63  }
0x1c4: {  	p1 =	por p0, !p1;
	s28 =	simm.s32 @!p0 $0x80;
	s26 =	sadd.s32 @!p0 $0x100, s26  }
0x1c5: {  	[tilespmem:s29], [sflag:$0x1] =	stream.indirect.gather @!p0 [hbm4b:s5+s28], $0x80, s26, s28, $0xb8;
	[tilespmem:$0x16500] =	vst v63  }
0x1c6: {  	_ =	swait.ge @p1 [sflag:s22], $0x4000  }
0x1c7: {  	[sflag:s22] =	ssyncset.done @p1 $0x0  }
0x1c8: {  	[sflag:s22] =	ssyncadd.s32 @p1 $0xFFFFC000  }
0x1c9: {  	_ =	swait.ge [sflag:s19], $0x4000  }
0x1ca: {  	[sflag:s19] =	ssyncset.done $0x0  }
0x1cb: {  	s31 =	simm.s32 $0xA600;
	[sflag:s19] =	ssyncadd.s32 $0xFFFFC000  }
0x1cc: {  	v13 =	vld [tilespmem:s31+$0x180]  }
0x1cd: {  	v14 =	vld [tilespmem:s31+$0x190]  }
0x1ce: {  	v12 =	vld [tilespmem:s31+$0x1A0]  }
0x1cf: {  	v15 =	vld [tilespmem:s31+$0x1B0]  }
0x1d0: {  	v19 =	vld [tilespmem:s31+$0xFFFFFE20]  }
0x1d1: {  	v20 =	vld [tilespmem:s31+$0xFFFFFE30]  }
0x1d2: {  	v16 =	vld [tilespmem:s31+$0xFFFFFE80]  }
0x1d3: {  	v17 =	vld [tilespmem:s31+$0xFFFFFE90]  }
0x1d4: {  	v22 =	vld [tilespmem:s31+$0xFFFFFEA0]  }
0x1d5: {  	v24 =	vld [tilespmem:s31+$0xFFFFFEB0]  }
0x1d6: {  	v21 =	vld [tilespmem:s31+$0xFFFFFF00]  }
0x1d7: {  	v25 =	vld [tilespmem:s31+$0xFFFFFF20]  }
0x1d8: {  	v26 =	vld [tilespmem:s31+$0xFFFFFF30]  }
0x1d9: {  	v27 =	vld [tilespmem:s31+$0xFFFFFF80]  }
0x1da: {  	v28 =	vld [tilespmem:s31+$0xFFFFFF90]  }
0x1db: {  	v29 =	vld [tilespmem:s31+$0xFFFFFFA0]  }
0x1dc: {  	v31 =	vld [tilespmem:s31+$0xFFFFFFB0]  }
0x1dd: {  	v30 =	vld [tilespmem:s31+$0x0];
	v0 =	vadd.f32 v14, v13  }
0x1de: {  	v32 =	vld [tilespmem:s31+$0x10];
	v1 =	vadd.f32 v15, v12;
	v2 =	vmul.f32 v13, v13;
	v3 =	vmul.f32 v14, v14  }
0x1df: {  	v33 =	vld [tilespmem:s31+$0x20];
	v4 =	vmul.f32 v12, v12;
	v5 =	vmul.f32 v15, v15;
	v6 =	vadd.f32 v20, v19  }
0x1e0: {  	v36 =	vld [tilespmem:s31+$0x30];
	v7 =	vmul.f32 v16, v16;
	v8 =	vadd.f32 v17, v16;
	v9 =	vmul.f32 v22, v22  }
0x1e1: {  	v39 =	vld [tilespmem:s31+$0xA0];
	v10 =	vadd.f32 v24, v22;
	v11 =	vmul.f32 v21, v21;
	v59 =	vmul.f32 v25, v25  }
0x1e2: {  	v60 =	vld [tilespmem:s31+$0xB0];
	v37 =	vadd.f32 v26, v25;
	v38 =	vmul.f32 v26, v26;
	v55 =	vmul.f32 v27, v27  }
0x1e3: {  	v40 =	vld [tilespmem:$0x1FFC0];
	v42 =	vadd.f32 v28, v27;
	v57 =	vmul.f32 v28, v28;
	v45 =	vmul.f32 v29, v29  }
0x1e4: {  	v23 =	vld [tilespmem:s31+$0xFFFFFF10];
	v52 =	vadd.f32 v31, v29;
	v46 =	vmul.f32 v30, v30;
	v63 =	vadd.f32 v32, v30  }
0x1e5: {  	v49 =	vmul.f32 v32, v32;
	v50 =	vmul.f32 v33, v33;
	v0 =	vadd.f32 v1, v0  }
0x1e6: {  	v53 =	vmul.f32 v36, v36;
	v2 =	vadd.f32 v3, v2;
	v3 =	vadd.f32 v5, v4  }
0x1e7: {  	v41 =	vld [tilespmem:$0x1FFD0];
	v56 =	vadd.f32 v60, v39;
	v4 =	vmul.f32 v19, v19;
	v5 =	vmul.f32 v20, v20  }
0x1e8: {  	v8 =	vadd.f32 v10, v8;
	v2 =	vadd.f32 v3, v2;
	v3 =	vperm.xlane v0, v40  }
0x1e9: {  	v10 =	vmul.f32 v23, v23;
	v52 =	vadd.f32 v52, v42;
	v46 =	vadd.f32 v49, v46  }
0x1ea: {  	v34 =	vld [tilespmem:s31+$0x80];
	v50 =	vadd.f32 v53, v50;
	v0 =	vadd.f32 v0, v3;
	v3 =	vperm.xlane v2, v40  }
0x1eb: {  	v43 =	vld [tilespmem:$0x1FFE0];
	v5 =	vadd.f32 v5, v4;
	v4 =	vmul.f32 v17, v17;
	v10 =	vadd.f32 v10, v11  }
0x1ec: {  	v11 =	vmul.f32 v31, v31;
	v58 =	vperm.xlane v0, v41;
	v2 =	vadd.f32 v3, v2  }
0x1ed: {  	v50 =	vadd.f32 v50, v46;
	v7 =	vadd.f32 v4, v7;
	v4 =	vmul.f32 v24, v24  }
0x1ee: {  	v18 =	vld [tilespmem:s31+$0xFFFFFE10];
	v3 =	vadd.f32 v23, v21;
	v0 =	vadd.f32 v0, v58;
	v51 =	vperm.xlane v2, v41  }
0x1ef: {  	v47 =	vld [tilespmem:$0x1FFF0];
	v54 =	vmul.f32 v34, v34;
	v11 =	vadd.f32 v11, v45;
	v9 =	vadd.f32 v4, v9  }
0x1f0: {  	v35 =	vld [tilespmem:s31+$0x100];
	v3 =	vadd.f32 v37, v3;
	v4 =	vperm.xlane v0, v43;
	v2 =	vadd.f32 v51, v2  }
0x1f1: {  	v37 =	vadd.f32 v57, v55;
	v7 =	vadd.f32 v9, v7;
	v9 =	vperm.xlane v8, v40  }
0x1f2: {  	v51 =	vadd.f32 v36, v33;
	v0 =	vadd.f32 v0, v4;
	v48 =	vperm.xlane v2, v43  }
0x1f3: {  	v1 =	vmul.f32 v18, v18;
	v11 =	vadd.f32 v11, v37;
	v8 =	vadd.f32 v8, v9;
	v4 =	vld [tilespmem:s31+$0x90]  }
0x1f4: {  	v9 =	vperm.xlane v7, v40;
	v44 =	vperm.xlane v0, v47;
	v2 =	vadd.f32 v48, v2  }
0x1f5: {  	v63 =	vadd.f32 v51, v63;
	v51 =	vmul.f32 v35, v35;
	v48 =	vadd.f32 v38, v59;
	v38 =	vld [tilespmem:s31+$0x110]  }
0x1f6: {  	v61 =	vld [tilespmem:s31+$0x120];
	v7 =	vadd.f32 v9, v7;
	v0 =	vadd.f32 v0, v44;
	v58 =	vperm.xlane v2, v47  }
0x1f7: {  	v42 =	vld [tilespmem:s31+$0x130];
	v59 =	vmul.f32 v60, v60;
	v10 =	vadd.f32 v48, v10;
	v48 =	vperm.xlane v3, v40  }
0x1f8: {  	v44 =	vld [tilespmem:s31+$0xFFFFFE00];
	v55 =	vmul.f32 v4, v4;
	v2 =	vadd.f32 v58, v2;
	v62 =	vmul.f32 $1.562500000e-02, v0  }
0x1f9: {  	v0 =	vadd.f32 v4, v34;
	v58 =	vmul.f32 v39, v39;
	v3 =	vadd.f32 v3, v48  }
0x1fa: {  	v48 =	vperm.xlane v10, v40;
	v45 =	vadd.f32 v38, v35;
	v53 =	vmul.f32 v38, v38  }
0x1fb: {  	v54 =	vadd.f32 v55, v54;
	v2 =	vmul.f32 $1.562500000e-02, v2;
	v0 =	vadd.f32 v56, v0  }
0x1fc: {  	v57 =	vmul.f32 v62, v62;
	v56 =	vadd.f32 v42, v61;
	v58 =	vadd.f32 v59, v58  }
0x1fd: {  	v55 =	vmul.f32 v42, v42;
	v10 =	vadd.f32 v48, v10;
	v49 =	vadd.f32 v18, v44  }
0x1fe: {  	v9 =	vperm.xlane v3, v41;
	v51 =	vadd.f32 v53, v51;
	v2 =	vsub.f32 v2, v57  }
0x1ff: {  	v57 =	vmul.f32 v44, v44;
	v45 =	vadd.f32 v56, v45;
	v54 =	vadd.f32 v58, v54  }
0x200: {  	v56 =	vperm.xlane v0, v40;
	v3 =	vadd.f32 v3, v9;
	v9 =	vperm.xlane v10, v41  }
0x201: {  	v6 =	vadd.f32 v6, v49;
	v49 =	vmul.f32 v61, v61;
	v2 =	vadd.f32 $9.999999740e-06, v2  }
0x202: {  	v1 =	vadd.f32 v1, v57;
	v0 =	vadd.f32 v0, v56;
	v56 =	vperm.xlane v8, v41  }
0x203: {  	v9 =	vadd.f32 v9, v10;
	v53 =	vperm.xlane v6, v40;
	v57 =	vshra.s32 v2, $0x1  }
0x204: {  	v2 =	vmul.f32 $5.000000000e-01, v2;
	v1 =	vadd.f32 v5, v1;
	v5 =	vadd.f32 v55, v49  }
0x205: {  	v49 =	vperm.xlane v52, v40;
	v55 =	vperm.xlane v63, v40;
	v57 =	vsub.s32 $0x5F3759DF, v57  }
0x206: {  	v59 =	vmul.f32 v57, v2;
	v5 =	vadd.f32 v5, v51;
	v51 =	vperm.xlane v1, v40  }
0x207: {  	v8 =	vadd.f32 v8, v56;
	v49 =	vadd.f32 v52, v49;
	v52 =	vperm.xlane v11, v40  }
0x208: {  	v59 =	vmul.f32 v57, v59;
	v1 =	vadd.f32 v51, v1;
	v51 =	vperm.xlane v5, v40  }
0x209: {  	v6 =	vadd.f32 v6, v53;
	v11 =	vadd.f32 v52, v11;
	v58 =	vperm.xlane v49, v41  }
0x20a: {  	v37 =	vsub.f32 $1.500000000e+00, v59;
	v5 =	vadd.f32 v51, v5;
	v51 =	vperm.xlane v1, v41  }
0x20b: {  	v48 =	vadd.f32 v49, v58;
	v49 =	vperm.xlane v11, v41;
	v58 =	vperm.xlane v3, v43  }
0x20c: {  	v46 =	vmul.f32 v57, v37;
	v37 =	vperm.xlane v45, v40;
	v57 =	vadd.f32 v63, v55  }
0x20d: {  	v63 =	vperm.xlane v50, v40;
	v55 =	vperm.xlane v54, v40;
	v1 =	vadd.f32 v51, v1  }
0x20e: {  	v10 =	vperm.xlane v48, v43;
	v11 =	vadd.f32 v49, v11;
	v3 =	vadd.f32 v3, v58  }
0x20f: {  	v2 =	vmul.f32 v46, v2;
	v37 =	vadd.f32 v45, v37;
	v45 =	vperm.xlane v6, v41  }
0x210: {  	v59 =	vperm.xlane v57, v41;
	v50 =	vadd.f32 v63, v50;
	v63 =	vperm.xlane v0, v41  }
0x211: {  	v54 =	vadd.f32 v55, v54;
	v55 =	vperm.xlane v7, v41;
	v10 =	vadd.f32 v48, v10  }
0x212: {  	v2 =	vmul.f32 v2, v46;
	v6 =	vadd.f32 v6, v45;
	v40 =	vperm.xlane v37, v41  }
0x213: {  	v57 =	vadd.f32 v57, v59;
	v52 =	vperm.xlane v50, v41;
	v53 =	vperm.xlane v54, v41  }
0x214: {  	v0 =	vadd.f32 v0, v63;
	v63 =	vperm.xlane v5, v41;
	v41 =	vperm.xlane v8, v43  }
0x215: {  	v7 =	vadd.f32 v55, v7;
	v45 =	vperm.xlane v1, v43;
	v2 =	vsub.f32 $1.500000000e+00, v2  }
0x216: {  	v37 =	vadd.f32 v37, v40;
	v40 =	vperm.xlane v6, v43;
	v59 =	vperm.xlane v57, v43  }
0x217: {  	v50 =	vadd.f32 v52, v50;
	v52 =	vperm.xlane v0, v43;
	v53 =	vadd.f32 v53, v54  }
0x218: {  	v5 =	vadd.f32 v63, v5;
	v8 =	vadd.f32 v8, v41;
	v51 =	vperm.xlane v7, v43  }
0x219: {  	v63 =	vperm.xlane v9, v43;
	v1 =	vadd.f32 v45, v1;
	v6 =	vadd.f32 v6, v40  }
0x21a: {  	v54 =	vperm.xlane v37, v43;
	v40 =	vperm.xlane v11, v43;
	v57 =	vadd.f32 v57, v59  }
0x21b: {  	v41 =	vperm.xlane v50, v43;
	v0 =	vadd.f32 v0, v52;
	v52 =	vperm.xlane v53, v43  }
0x21c: {  	v43 =	vperm.xlane v5, v43;
	v56 =	vperm.xlane v8, v47;
	v7 =	vadd.f32 v51, v7  }
0x21d: {  	v59 =	vperm.xlane v3, v47;
	v9 =	vadd.f32 v63, v9;
	v63 =	vperm.xlane v10, v47  }
0x21e: {  	v37 =	vadd.f32 v37, v54;
	v54 =	vperm.xlane v6, v47;
	v11 =	vadd.f32 v40, v11  }
0x21f: {  	v40 =	vperm.xlane v57, v47;
	v49 =	vadd.f32 v41, v50;
	v41 =	vperm.xlane v0, v47  }
0x220: {  	v52 =	vadd.f32 v52, v53;
	v5 =	vadd.f32 v43, v5;
	v43 =	vperm.xlane v1, v47  }
0x221: {  	v8 =	vadd.f32 v8, v56;
	v3 =	vadd.f32 v3, v59;
	v51 =	vperm.xlane v9, v47  }
0x222: {  	v10 =	vadd.f32 v10, v63;
	v53 =	vperm.xlane v37, v47;
	v6 =	vadd.f32 v6, v54  }
0x223: {  	v54 =	vperm.xlane v7, v47;
	v63 =	vperm.xlane v11, v47;
	v48 =	vadd.f32 v57, v40  }
0x224: {  	v40 =	vperm.xlane v49, v47;
	v0 =	vadd.f32 v0, v41;
	v41 =	vperm.xlane v52, v47  }
0x225: {  	v1 =	vadd.f32 v43, v1;
	v43 =	vperm.xlane v5, v47;
	v8 =	vmul.f32 $1.562500000e-02, v8  }
0x226: {  	v9 =	vadd.f32 v51, v9;
	v3 =	vmul.f32 $1.562500000e-02, v3;
	v10 =	vmul.f32 $1.562500000e-02, v10  }
0x227: {  	v37 =	vadd.f32 v37, v53;
	v6 =	vmul.f32 $1.562500000e-02, v6;
	v48 =	vmul.f32 $1.562500000e-02, v48  }
0x228: {  	v11 =	vadd.f32 v63, v11;
	v63 =	vmul.f32 $1.562500000e-02, v0;
	v1 =	vmul.f32 $1.562500000e-02, v1  }
0x229: {  	v7 =	vadd.f32 v54, v7;
	v55 =	vmul.f32 v8, v8;
	v9 =	vmul.f32 $1.562500000e-02, v9  }
0x22a: {  	v0 =	vadd.f32 v40, v49;
	v56 =	vmul.f32 v3, v3;
	v57 =	vmul.f32 v10, v10  }
0x22b: {  	v52 =	vadd.f32 v41, v52;
	v45 =	vmul.f32 $1.562500000e-02, v37;
	v54 =	vmul.f32 v6, v6  }
0x22c: {  	v5 =	vadd.f32 v43, v5;
	v7 =	vmul.f32 $1.562500000e-02, v7;
	v11 =	vmul.f32 $1.562500000e-02, v11  }
0x22d: {  	v0 =	vmul.f32 $1.562500000e-02, v0;
	v9 =	vsub.f32 v9, v56;
	v58 =	vmul.f32 v48, v48  }
0x22e: {  	v37 =	vmul.f32 $1.562500000e-02, v52;
	v59 =	vmul.f32 v63, v63;
	v1 =	vsub.f32 v1, v54  }
0x22f: {  	v5 =	vmul.f32 $1.562500000e-02, v5;
	v7 =	vsub.f32 v7, v55;
	v11 =	vsub.f32 v11, v57  }
0x230: {  	v0 =	vsub.f32 v0, v58;
	v40 =	vmul.f32 v45, v45;
	v9 =	vadd.f32 $9.999999740e-06, v9  }
0x231: {  	v46 =	vmul.f32 v2, v46;
	v1 =	vadd.f32 $9.999999740e-06, v1;
	v2 =	vadd.f32 $9.999999740e-06, v7  }
0x232: {  	v7 =	vsub.f32 v37, v59;
	v5 =	vsub.f32 v5, v40  }
0x233: {  	v11 =	vadd.f32 $9.999999740e-06, v11;
	v0 =	vadd.f32 $9.999999740e-06, v0;
	v50 =	vshra.s32 v9, $0x1  }
0x234: {  	v9 =	vmul.f32 $5.000000000e-01, v9;
	v50 =	vsub.s32 $0x5F3759DF, v50;
	v41 =	vshra.s32 v1, $0x1  }
0x235: {  	v1 =	vmul.f32 $5.000000000e-01, v1;
	v43 =	vshra.s32 v2, $0x1;
	v7 =	vadd.f32 $9.999999740e-06, v7  }
0x236: {  	v5 =	vadd.f32 $9.999999740e-06, v5;
	v2 =	vmul.f32 $5.000000000e-01, v2;
	v51 =	vshra.s32 v11, $0x1  }
0x237: {  	v11 =	vmul.f32 $5.000000000e-01, v11;
	v52 =	vshra.s32 v0, $0x1;
	v0 =	vmul.f32 $5.000000000e-01, v0  }
0x238: {  	v57 =	vmul.f32 v50, v9;
	v37 =	vsub.s32 $0x5F3759DF, v41;
	v49 =	vsub.s32 $0x5F3759DF, v43  }
0x239: {  	v51 =	vsub.s32 $0x5F3759DF, v51;
	v52 =	vsub.s32 $0x5F3759DF, v52;
	v47 =	vmul.f32 v37, v1  }
0x23a: {  	v40 =	vshra.s32 v7, $0x1;
	v41 =	vmul.f32 v49, v2;
	v7 =	vmul.f32 $5.000000000e-01, v7  }
0x23b: {  	v43 =	vshra.s32 v5, $0x1;
	v5 =	vmul.f32 $5.000000000e-01, v5;
	v58 =	vmul.f32 v51, v11  }
0x23c: {  	v57 =	vmul.f32 v50, v57;
	v54 =	vsub.s32 $0x5F3759DF, v40;
	v53 =	vmul.f32 v37, v47  }
0x23d: {  	v40 =	vsub.s32 $0x5F3759DF, v43;
	v55 =	vmul.f32 v49, v41;
	v47 =	vmul.f32 v52, v0  }
0x23e: {  	v41 =	vmul.f32 v54, v7;
	v43 =	vmul.f32 v40, v5  }
0x23f: {  	v58 =	vmul.f32 v51, v58;
	v57 =	vsub.f32 $1.500000000e+00, v57;
	v53 =	vsub.f32 $1.500000000e+00, v53  }
0x240: {  	v55 =	vsub.f32 $1.500000000e+00, v55;
	v59 =	vmul.f32 v52, v47;
	v56 =	vmul.f32 v54, v41  }
0x241: {  	v58 =	vsub.f32 $1.500000000e+00, v58;
	v50 =	vmul.f32 v50, v57;
	v37 =	vmul.f32 v37, v53  }
0x242: {  	v49 =	vmul.f32 v49, v55;
	v55 =	vmul.f32 v40, v43;
	v47 =	vsub.f32 $1.500000000e+00, v59  }
0x243: {  	v56 =	vsub.f32 $1.500000000e+00, v56;
	v51 =	vmul.f32 v51, v58;
	v9 =	vmul.f32 v50, v9  }
0x244: {  	v1 =	vmul.f32 v37, v1;
	v52 =	vmul.f32 v52, v47  }
0x245: {  	v55 =	vsub.f32 $1.500000000e+00, v55;
	v54 =	vmul.f32 v54, v56;
	v2 =	vmul.f32 v49, v2  }
0x246: {  	v11 =	vmul.f32 v51, v11;
	v9 =	vmul.f32 v9, v50  }
0x247: {  	v1 =	vmul.f32 v1, v37;
	v53 =	vmul.f32 v40, v55  }
0x248: {  	v0 =	vmul.f32 v52, v0;
	v7 =	vmul.f32 v54, v7  }
0x249: {  	v2 =	vmul.f32 v2, v49;
	v11 =	vmul.f32 v11, v51  }
0x24a: {  	v9 =	vsub.f32 $1.500000000e+00, v9;
	v1 =	vsub.f32 $1.500000000e+00, v1;
	v5 =	vmul.f32 v53, v5  }
0x24b: {  	v0 =	vmul.f32 v0, v52;
	v2 =	vsub.f32 $1.500000000e+00, v2;
	v7 =	vmul.f32 v7, v54  }
0x24c: {  	v11 =	vsub.f32 $1.500000000e+00, v11;
	v9 =	vmul.f32 v9, v50;
	v1 =	vmul.f32 v1, v37  }
0x24d: {  	v3 =	vsub.f32 $0.0e+00, v3;
	v5 =	vmul.f32 v5, v53;
	v2 =	vmul.f32 v2, v49  }
0x24e: {  	v0 =	vsub.f32 $1.500000000e+00, v0;
	v7 =	vsub.f32 $1.500000000e+00, v7;
	v11 =	vmul.f32 v11, v51  }
0x24f: {  	v6 =	vsub.f32 $0.0e+00, v6;
	v3 =	vmul.f32 v9, v3;
	v21 =	vmul.f32 v9, v21  }
0x250: {  	v0 =	vmul.f32 v0, v52;
	v7 =	vmul.f32 v7, v54  }
0x251: {  	v8 =	vsub.f32 $0.0e+00, v8;
	v6 =	vmul.f32 v1, v6;
	v37 =	vmul.f32 v1, v44  }
0x252: {  	v18 =	vmul.f32 v1, v18;
	v19 =	vmul.f32 v1, v19  }
0x253: {  	v1 =	vmul.f32 v1, v20;
	v8 =	vmul.f32 v2, v8  }
0x254: {  	v10 =	vsub.f32 $0.0e+00, v10;
	v16 =	vmul.f32 v2, v16;
	v17 =	vmul.f32 v2, v17  }
0x255: {  	v5 =	vsub.f32 $1.500000000e+00, v5;
	v20 =	vmul.f32 v2, v22;
	v2 =	vmul.f32 v2, v24  }
0x256: {  	v22 =	vmul.f32 v9, v23;
	v10 =	vmul.f32 v11, v10  }
0x257: {  	v5 =	vmul.f32 v5, v53;
	v24 =	vadd.f32 v6, v37;
	v18 =	vadd.f32 v6, v18  }
0x258: {  	v19 =	vadd.f32 v6, v19;
	v1 =	vadd.f32 v6, v1;
	v6 =	vmul.f32 v9, v25  }
0x259: {  	v23 =	vsub.f32 $0.0e+00, v48;
	v9 =	vmul.f32 v9, v26;
	v25 =	vmul.f32 v11, v27  }
0x25a: {  	v26 =	vadd.f32 v8, v16;
	v16 =	vmul.f32 v11, v28;
	v27 =	vmul.f32 v11, v29  }
0x25b: {  	v11 =	vmul.f32 v11, v31;
	v28 =	vadd.f32 v8, v17;
	v29 =	vadd.f32 v8, v20  }
0x25c: {  	v2 =	vadd.f32 v8, v2;
	v8 =	vmul.f32 v0, v23;
	v17 =	vmul.f32 v0, v30  }
0x25d: {  	v20 =	vsub.f32 $0.0e+00, v63;
	v23 =	vmul.f32 v0, v32;
	v30 =	vmul.f32 v0, v33  }
0x25e: {  	v0 =	vmul.f32 v0, v36;
	v31 =	vadd.f32 v3, v21;
	v50 =	vadd.f32 v3, v22  }
0x25f: {  	v21 =	vmul.f32 v7, v34;
	v6 =	vadd.f32 v3, v6;
	v3 =	vadd.f32 v3, v9  }
0x260: {  	v9 =	vmul.f32 v7, v20;
	v20 =	vsub.f32 $0.0e+00, v62;
	v25 =	vadd.f32 v10, v25  }
0x261: {  	v4 =	vmul.f32 v7, v4;
	v52 =	vadd.f32 v10, v16;
	v27 =	vadd.f32 v10, v27  }
0x262: {  	v51 =	vmul.f32 v7, v39;
	v10 =	vadd.f32 v10, v11;
	v16 =	vsub.f32 $0.0e+00, v45  }
0x263: {  	v53 =	vadd.f32 v8, v17;
	v11 =	vmul.f32 v46, v20;
	v20 =	vmul.f32 v5, v61;
	v61 =	vld [tilespmem:$0x1FF50]  }
0x264: {  	v7 =	vmul.f32 v7, v60;
	v54 =	vadd.f32 v8, v23;
	v30 =	vadd.f32 v8, v30  }
0x265: {  	v0 =	vadd.f32 v8, v0;
	v17 =	vmul.f32 v5, v38;
	v8 =	vmul.f32 v5, v16  }
0x266: {  	v16 =	vmul.f32 v5, v35;
	v5 =	vmul.f32 v5, v42  }
0x267: {  	v55 =	vadd.f32 v9, v21;
	v21 =	vadd.f32 v9, v7;
	v7 =	vmul.f32 v46, v13  }
0x268: {  	v13 =	vadd.f32 v8, v16;
	v16 =	vadd.f32 v8, v5;
	v5 =	vmul.f32 v24, v61;
	v24 =	vld [tilespmem:$0x1FF60];
	_ =	sdelay $0x3  }
0x269: {  	v60 =	vld [tilespmem:$0x1FF80]  }
0x26a: {  	v57 =	vadd.f32 v11, v7;
	v7 =	vmul.f32 v18, v24;
	v18 =	vld [tilespmem:$0x1FF70]  }
0x26b: {  	v15 =	vmul.f32 v46, v15  }
0x26c: {  	v45 =	vld [tilespmem:$0x1FF40]  }
0x26d: {  	v22 =	vadd.f32 v9, v4;
	v4 =	vadd.f32 v11, v15  }
0x26e: {  	v23 =	vadd.f32 v9, v51;
	v9 =	vmul.f32 v46, v14  }
0x26f: {  	v4 =	vmul.f32 v4, v60;
	v14 =	vmul.f32 v29, v18;
	v29 =	vld [tilespmem:$0x1FF90];
	_ =	sdelay $0x1  }
0x270: {  	v4 =	vadd.f32 v4, v45  }
0x271: {  	s28 =	simm.s32 $0x12600  }
0x272: {  	v12 =	vmul.f32 v46, v12;
	[tilespmem:s28+$0x1B0] =	vst v4  }
0x273: {  	v17 =	vadd.f32 v8, v17;
	v1 =	vmul.f32 v1, v60;
	v62 =	vld [tilespmem:$0x1FFA0];
	v5 =	vadd.f32 v5, v29  }
0x274: {  	v15 =	vadd.f32 v11, v12;
	v12 =	vmul.f32 v2, v60;
	v35 =	vmul.f32 v3, v60  }
0x275: {  	v20 =	vadd.f32 v8, v20;
	v31 =	vmul.f32 v31, v61;
	v32 =	vmul.f32 v50, v24;
	[tilespmem:s28+$0xFFFFFE00] =	vst v5  }
0x276: {  	v8 =	vmul.f32 v19, v18;
	v19 =	vadd.f32 v11, v9;
	v9 =	vmul.f32 v26, v61;
	v63 =	vld [tilespmem:$0x1FFB0]  }
0x277: {  	v11 =	vmul.f32 v28, v24;
	v36 =	vmul.f32 v6, v18  }
0x278: {  	v6 =	vmovc v60;
	v26 =	vmul.f32 v27, v18;
	v30 =	vmul.f32 v30, v18;
	v2 =	vadd.f32 v7, v62  }
0x279: {  	v1 =	vadd.f32 v1, v45;
	v3 =	vmul.f32 v0, v6;
	v7 =	vmovc v24;
	v24 =	vmul.f32 v25, v61  }
0x27a: {  	v25 =	vmul.f32 v53, v61;
	v33 =	vadd.f32 v11, v62;
	[tilespmem:s28+$0xFFFFFE10] =	vst v2;
	v2 =	vadd.f32 v9, v29  }
0x27b: {  	v28 =	vmul.f32 v52, v7;
	v27 =	vmul.f32 v54, v7;
	[tilespmem:s28+$0xFFFFFE30] =	vst v1;
	v4 =	vadd.f32 v8, v63  }
0x27c: {  	v9 =	vmovc v29;
	v29 =	vmul.f32 v10, v6;
	v10 =	vmov v62;
	v5 =	vmov v61;
	[tilespmem:s28+$0xFFFFFE80] =	vst v2  }
0x27d: {  	s30 =	simm.s32 $0xAA00;
	s29 =	simm.s32 $0x0;
	s26 =	simm.s32 $0x12600;
	v8 =	vmovc v18;
	v11 =	vmov v63;
	v34 =	vadd.f32 v14, v63;
	[tilespmem:s28+$0xFFFFFE20] =	vst v4;
	v4 =	vmul.f32 v55, v5  }
.LBB2_5:
0x27e: {  	[tilespmem:s28+$0xFFFFFE90] =	vst v33  }
0x27f: {  	v1 =	vmul.f32 v22, v7;
	[tilespmem:$0x1FCD0] =	vst v4  }
0x280: {  	v0 =	vadd.f32 v12, v45;
	[tilespmem:s28+$0xFFFFFEA0] =	vst v34  }
0x281: {  	[tilespmem:$0x1FCE0] =	vst v1;
	v1 =	vmul.f32 v23, v8  }
0x282: {  	[tilespmem:s28+$0xFFFFFEB0] =	vst v0;
	v0 =	vadd.f32 v32, v10  }
0x283: {  	[tilespmem:$0x1FCF0] =	vst v1;
	v2 =	vmul.f32 v21, v6  }
0x284: {  	v1 =	vadd.f32 v31, v9;
	[tilespmem:s28+$0xFFFFFF10] =	vst v0  }
0x285: {  	v0 =	vadd.f32 v35, v45;
	[tilespmem:$0x1FD00] =	vst v2  }
0x286: {  	v2 =	vmul.f32 v13, v5;
	[tilespmem:s28+$0xFFFFFF00] =	vst v1  }
0x287: {  	v53 =	vld [tilespmem:s30+$0x180];
	v1 =	vadd.f32 v36, v11;
	[tilespmem:s28+$0xFFFFFF30] =	vst v0  }
0x288: {  	v12 =	vld [tilespmem:s30+$0x1A0];
	v0 =	vadd.f32 v26, v11;
	[tilespmem:$0x1FD10] =	vst v2  }
0x289: {  	v58 =	vld [tilespmem:s30+$0x1B0];
	v2 =	vmul.f32 v17, v7;
	[tilespmem:s28+$0xFFFFFF20] =	vst v1  }
0x28a: {  	v14 =	vld [tilespmem:s30+$0xFFFFFE20];
	v1 =	vadd.f32 v24, v9;
	[tilespmem:s28+$0xFFFFFFA0] =	vst v0  }
0x28b: {  	v33 =	vld [tilespmem:s30+$0xFFFFFE30];
	v0 =	vadd.f32 v27, v10;
	[tilespmem:$0x1FD20] =	vst v2  }
0x28c: {  	v49 =	vld [tilespmem:s30+$0xB0];
	v2 =	vmul.f32 v20, v8;
	[tilespmem:s28+$0xFFFFFF80] =	vst v1  }
0x28d: {  	v4 =	vld [tilespmem:s30+$0x190];
	v1 =	vadd.f32 v25, v9;
	[tilespmem:s28+$0x10] =	vst v0  }
0x28e: {  	v34 =	vld [tilespmem:s30+$0xFFFFFE90];
	v0 =	vadd.f32 v30, v11;
	[tilespmem:$0x1FD30] =	vst v2  }
0x28f: {  	v32 =	vld [tilespmem:s30+$0xFFFFFEA0];
	v2 =	vmul.f32 v16, v6;
	[tilespmem:s28+$0x0] =	vst v1  }
0x290: {  	v31 =	vld [tilespmem:s30+$0xFFFFFEB0];
	[tilespmem:s28+$0x20] =	vst v0  }
0x291: {  	v27 =	vld [tilespmem:s30+$0xA0];
	[tilespmem:$0x1FD40] =	vst v2;
	v2 =	vmul.f32 v57, v5  }
0x292: {  	[tilespmem:$0x1FCC0] =	vst v3;
	v3 =	vadd.f32 v29, v45;
	v25 =	vld [tilespmem:s30+$0x20]  }
0x293: {  	v45 =	vld [tilespmem:s30+$0x30];
	[tilespmem:$0x1FD50] =	vst v2;
	v2 =	vmul.f32 v19, v7  }
0x294: {  	[tilespmem:s28+$0xFFFFFFB0] =	vst v3;
	v3 =	vmul.f32 v33, v33;
	v21 =	vadd.f32 v33, v14;
	v29 =	vld [tilespmem:s30+$0xFFFFFF10]  }
0x295: {  	v35 =	vld [tilespmem:s30+$0xFFFFFF30];
	v6 =	vadd.f32 v58, v12;
	v5 =	vadd.f32 v4, v53;
	[tilespmem:$0x1FD60] =	vst v2;
	v2 =	vmul.f32 v15, v8  }
0x296: {  	[tilespmem:$0x1FD70] =	vst v14;
	v9 =	vmul.f32 v58, v58;
	v0 =	vadd.f32 v31, v32;
	v7 =	vmul.f32 v53, v53;
	v15 =	vld [tilespmem:s30+$0xFFFFFE80]  }
0x297: {  	v5 =	vadd.f32 v6, v5;
	v8 =	vmul.f32 v4, v4;
	[tilespmem:$0x1FD80] =	vst v2;
	v2 =	vadd.f32 v28, v10;
	v28 =	vld [tilespmem:s30+$0xFFFFFF00]  }
0x298: {  	[tilespmem:$0x1FDA0] =	vst v4;
	v30 =	vld [tilespmem:s30+$0xFFFFFF20];
	v61 =	vmul.f32 v25, v25;
	v62 =	vadd.f32 v45, v25;
	v10 =	vmul.f32 v14, v14  }
0x299: {  	v41 =	vld [tilespmem:$0x1FFC0];
	v4 =	vadd.f32 v49, v27;
	v6 =	vadd.f32 v8, v7;
	v14 =	vmul.f32 v45, v45;
	[tilespmem:s28+$0xFFFFFF90] =	vst v2  }
0x29a: {  	v2 =	vmul.f32 v12, v12;
	v22 =	vadd.f32 v3, v10;
	v10 =	vmul.f32 v32, v32;
	v36 =	vld [tilespmem:s30+$0xFFFFFF80]  }
0x29b: {  	v14 =	vadd.f32 v14, v61;
	v7 =	vmul.f32 v15, v15;
	v8 =	vadd.f32 v34, v15;
	v38 =	vld [tilespmem:s30+$0xFFFFFF90]  }
0x29c: {  	v39 =	vld [tilespmem:s30+$0xFFFFFFA0];
	v2 =	vadd.f32 v9, v2;
	v9 =	vmul.f32 v34, v34;
	v37 =	vadd.f32 v29, v28  }
0x29d: {  	v24 =	vld [tilespmem:s30+$0xFFFFFFB0];
	v11 =	vmul.f32 v28, v28;
	v56 =	vadd.f32 v0, v8;
	v8 =	vadd.f32 v35, v30  }
0x29e: {  	v0 =	vmul.f32 v29, v29;
	v2 =	vadd.f32 v2, v6;
	v6 =	vperm.xlane v5, v41  }
0x29f: {  	v43 =	vld [tilespmem:$0x1FFD0];
	[tilespmem:$0x1FD90] =	vst v15;
	v20 =	vadd.f32 v9, v7;
	v9 =	vmul.f32 v31, v31;
	v15 =	vadd.f32 v8, v37  }
0x2a0: {  	v8 =	vmul.f32 v27, v27;
	v5 =	vadd.f32 v5, v6;
	v6 =	vperm.xlane v2, v41  }
0x2a1: {  	v19 =	vadd.f32 v9, v10;
	v10 =	vmul.f32 v35, v35;
	v52 =	vmul.f32 v36, v36  }
0x2a2: {  	v50 =	vadd.f32 v38, v36;
	v37 =	vmul.f32 v38, v38;
	v51 =	vadd.f32 v24, v39  }
0x2a3: {  	v26 =	vld [tilespmem:s30+$0x0];
	v17 =	vadd.f32 v0, v11;
	v57 =	vmul.f32 v39, v39;
	v11 =	vmul.f32 v24, v24  }
0x2a4: {  	v47 =	vld [tilespmem:$0x1FFE0];
	v42 =	vperm.xlane v5, v43;
	v2 =	vadd.f32 v6, v2;
	v63 =	vadd.f32 v51, v50  }
0x2a5: {  	v6 =	vmul.f32 v30, v30;
	v37 =	vadd.f32 v37, v52;
	v11 =	vadd.f32 v11, v57  }
0x2a6: {  	v50 =	vld [tilespmem:s30+$0x110];
	v57 =	vmul.f32 v49, v49;
	v19 =	vadd.f32 v19, v20;
	v20 =	vperm.xlane v56, v41  }
0x2a7: {  	v1 =	vld [tilespmem:$0x1FFF0];
	v5 =	vadd.f32 v5, v42;
	v44 =	vperm.xlane v2, v43;
	v16 =	vadd.f32 v10, v6  }
0x2a8: {  	v59 =	vmul.f32 v26, v26;
	v42 =	vld [tilespmem:s30+$0x10];
	v8 =	vadd.f32 v57, v8;
	v11 =	vadd.f32 v11, v37  }
0x2a9: {  	v20 =	vadd.f32 v56, v20;
	v46 =	vperm.xlane v5, v47;
	v2 =	vadd.f32 v44, v2;
	v44 =	vld [tilespmem:s30+$0x80]  }
0x2aa: {  	v51 =	vld [tilespmem:s30+$0x120];
	v16 =	vadd.f32 v16, v17;
	v17 =	vperm.xlane v15, v41;
	v37 =	vperm.xlane v11, v41  }
0x2ab: {  	v52 =	vld [tilespmem:s30+$0x130];
	v6 =	vmul.f32 v50, v50;
	v5 =	vadd.f32 v5, v46;
	v48 =	vperm.xlane v2, v47  }
0x2ac: {  	v15 =	vadd.f32 v15, v17;
	v17 =	vperm.xlane v16, v41;
	v11 =	vadd.f32 v37, v11  }
0x2ad: {  	v46 =	vld [tilespmem:s30+$0x90];
	v60 =	vadd.f32 v42, v26;
	v55 =	vperm.xlane v5, v1;
	v2 =	vadd.f32 v48, v2  }
0x2ae: {  	[tilespmem:$0x1FDB0] =	vst v12;
	v10 =	vmul.f32 v42, v42;
	v48 =	vld [tilespmem:s30+$0x100];
	v16 =	vadd.f32 v17, v16;
	v12 =	vmul.f32 v44, v44  }
0x2af: {  	v13 =	vadd.f32 v62, v60;
	v5 =	vadd.f32 v5, v55;
	v55 =	vperm.xlane v2, v1  }
0x2b0: {  	v10 =	vadd.f32 v10, v59;
	v59 =	vmul.f32 v51, v51;
	v60 =	vadd.f32 v52, v51  }
0x2b1: {  	v62 =	vmul.f32 v52, v52;
	v2 =	vadd.f32 v55, v2;
	v23 =	vmul.f32 $1.562500000e-02, v5  }
0x2b2: {  	v40 =	vld [tilespmem:s30+$0xFFFFFE10];
	v18 =	vadd.f32 v46, v44;
	v9 =	vmul.f32 v46, v46;
	v10 =	vadd.f32 v14, v10  }
0x2b3: {  	v55 =	vld [tilespmem:s30+$0xFFFFFE00];
	v5 =	vadd.f32 v50, v48;
	v2 =	vmul.f32 $1.562500000e-02, v2;
	v0 =	vmul.f32 v23, v23  }
0x2b4: {  	v7 =	vmul.f32 v48, v48;
	v61 =	vadd.f32 v4, v18;
	v9 =	vadd.f32 v9, v12  }
0x2b5: {  	v5 =	vadd.f32 v60, v5;
	v0 =	vsub.f32 v2, v0  }
0x2b6: {  	v14 =	vperm.xlane v13, v41;
	v4 =	vadd.f32 v6, v7;
	v6 =	vadd.f32 v62, v59  }
0x2b7: {  	v54 =	vmul.f32 v40, v40;
	v8 =	vadd.f32 v8, v9;
	v0 =	vadd.f32 $9.999999740e-06, v0  }
0x2b8: {  	v9 =	vperm.xlane v61, v41;
	v7 =	vadd.f32 v13, v14;
	v3 =	vadd.f32 v40, v55  }
0x2b9: {  	v2 =	vmul.f32 v55, v55;
	v18 =	vshra.s32 v0, $0x1;
	v0 =	vmul.f32 $5.000000000e-01, v0  }
0x2ba: {  	v14 =	vperm.xlane v10, v41;
	v3 =	vadd.f32 v21, v3;
	v18 =	vsub.s32 $0x5F3759DF, v18  }
0x2bb: {  	v13 =	vperm.xlane v15, v43;
	v2 =	vadd.f32 v54, v2;
	v12 =	vmul.f32 v18, v0  }
0x2bc: {  	v4 =	vadd.f32 v6, v4;
	v10 =	vadd.f32 v14, v10;
	v21 =	vperm.xlane v3, v41  }
0x2bd: {  	v2 =	vadd.f32 v22, v2;
	v22 =	vperm.xlane v63, v41;
	v12 =	vmul.f32 v18, v12  }
0x2be: {  	v6 =	vperm.xlane v5, v41;
	v13 =	vadd.f32 v15, v13;
	v62 =	vadd.f32 v3, v21  }
0x2bf: {  	v15 =	vperm.xlane v16, v43;
	v22 =	vadd.f32 v63, v22;
	v12 =	vsub.f32 $1.500000000e+00, v12  }
0x2c0: {  	v21 =	vperm.xlane v19, v41;
	v3 =	vadd.f32 v61, v9;
	v9 =	vperm.xlane v8, v41  }
0x2c1: {  	v5 =	vadd.f32 v5, v6;
	v17 =	vperm.xlane v22, v43;
	v12 =	vmul.f32 v18, v12  }
0x2c2: {  	v15 =	vadd.f32 v15, v16;
	v14 =	vperm.xlane v3, v43;
	v18 =	vperm.xlane v2, v41  }
0x2c3: {  	v8 =	vadd.f32 v9, v8;
	v17 =	vadd.f32 v22, v17;
	v0 =	vmul.f32 v12, v0  }
0x2c4: {  	v2 =	vadd.f32 v18, v2;
	v18 =	vperm.xlane v4, v41;
	v41 =	vperm.xlane v20, v43  }
0x2c5: {  	v3 =	vadd.f32 v3, v14;
	v14 =	vperm.xlane v8, v43;
	v0 =	vmul.f32 v0, v12  }
0x2c6: {  	v4 =	vadd.f32 v18, v4;
	v9 =	vperm.xlane v2, v43;
	v18 =	vadd.f32 v20, v41  }
0x2c7: {  	v6 =	vperm.xlane v62, v43;
	v16 =	vperm.xlane v17, v47;
	v0 =	vsub.f32 $1.500000000e+00, v0  }
0x2c8: {  	v8 =	vadd.f32 v14, v8;
	v2 =	vadd.f32 v9, v2;
	v9 =	vperm.xlane v18, v47  }
0x2c9: {  	v56 =	vmul.f32 v0, v12;
	v0 =	vsub.f32 $0.0e+00, v23;
	v12 =	vadd.f32 v21, v19  }
0x2ca: {  	v19 =	vperm.xlane v7, v43;
	v23 =	vadd.f32 v62, v6;
	v6 =	vperm.xlane v5, v43  }
0x2cb: {  	v21 =	vperm.xlane v11, v43;
	v9 =	vadd.f32 v18, v9;
	v18 =	vperm.xlane v15, v47  }
0x2cc: {  	v16 =	vadd.f32 v17, v16;
	v54 =	vmul.f32 v56, v0;
	v0 =	vmul.f32 v56, v58  }
0x2cd: {  	v20 =	vld [tilespmem:$0x1FF80];
	v7 =	vadd.f32 v7, v19;
	v19 =	vperm.xlane v10, v43;
	v5 =	vadd.f32 v5, v6  }
0x2ce: {  	v6 =	vperm.xlane v4, v43;
	v11 =	vadd.f32 v21, v11;
	v15 =	vadd.f32 v18, v15  }
0x2cf: {  	v18 =	vperm.xlane v16, v1;
	v0 =	vadd.f32 v54, v0;
	v21 =	vperm.xlane v7, v47  }
0x2d0: {  	v22 =	vld [tilespmem:$0x1FF40];
	v10 =	vadd.f32 v19, v10;
	v19 =	vperm.xlane v3, v47;
	v4 =	vadd.f32 v6, v4  }
0x2d1: {  	v6 =	vperm.xlane v2, v47;
	v17 =	vperm.xlane v11, v47;
	v16 =	vadd.f32 v16, v18  }
0x2d2: {  	v0 =	vmul.f32 v0, v20;
	v20 =	vperm.xlane v12, v43;
	v7 =	vadd.f32 v7, v21  }
0x2d3: {  	v3 =	vadd.f32 v3, v19;
	v19 =	vperm.xlane v8, v47;
	v2 =	vadd.f32 v6, v2  }
0x2d4: {  	v6 =	vperm.xlane v4, v47;
	v21 =	vperm.xlane v9, v1;
	v11 =	vadd.f32 v17, v11  }
0x2d5: {  	v0 =	vadd.f32 v0, v22;
	v12 =	vadd.f32 v20, v12;
	v20 =	vperm.xlane v13, v47  }
0x2d6: {  	v22 =	vperm.xlane v5, v47;
	v17 =	vperm.xlane v7, v1;
	v8 =	vadd.f32 v19, v8  }
0x2d7: {  	s28 =	sadd.s32 $0x400, s28;
	v4 =	vadd.f32 v6, v4;
	v6 =	vadd.f32 v9, v21;
	v18 =	vperm.xlane v11, v1  }
0x2d8: {  	[tilespmem:s28+$0x1B0] =	vst v0;
	v0 =	vperm.xlane v23, v47;
	v14 =	vperm.xlane v12, v47;
	v13 =	vadd.f32 v13, v20  }
0x2d9: {  	v20 =	vperm.xlane v10, v47;
	v22 =	vadd.f32 v5, v22;
	v7 =	vadd.f32 v7, v17  }
0x2da: {  	v6 =	vmul.f32 $1.562500000e-02, v6;
	v11 =	vadd.f32 v18, v11;
	v12 =	vadd.f32 v14, v12  }
0x2db: {  	v14 =	vperm.xlane v13, v1;
	v10 =	vadd.f32 v20, v10;
	v20 =	vperm.xlane v3, v1  }
0x2dc: {  	v0 =	vadd.f32 v23, v0;
	v19 =	vperm.xlane v22, v1;
	v7 =	vmul.f32 $1.562500000e-02, v7  }
0x2dd: {  	v59 =	vsub.f32 $0.0e+00, v6;
	v6 =	vmul.f32 v6, v6;
	v11 =	vmul.f32 $1.562500000e-02, v11  }
0x2de: {  	v5 =	vperm.xlane v0, v1;
	v9 =	vperm.xlane v12, v1  }
0x2df: {  	v13 =	vadd.f32 v13, v14;
	v14 =	vperm.xlane v15, v1;
	v17 =	vperm.xlane v10, v1  }
0x2e0: {  	v3 =	vadd.f32 v3, v20;
	v20 =	vperm.xlane v8, v1;
	v19 =	vadd.f32 v22, v19  }
0x2e1: {  	v37 =	vsub.f32 $0.0e+00, v7;
	v0 =	vadd.f32 v0, v5;
	v5 =	vperm.xlane v2, v1  }
0x2e2: {  	v9 =	vadd.f32 v9, v12;
	v12 =	vadd.f32 v14, v15;
	v13 =	vmul.f32 $1.562500000e-02, v13  }
0x2e3: {  	v14 =	vmul.f32 $1.562500000e-02, v16;
	v10 =	vadd.f32 v17, v10;
	v8 =	vadd.f32 v20, v8  }
0x2e4: {  	v3 =	vmul.f32 $1.562500000e-02, v3;
	v2 =	vadd.f32 v5, v2;
	v5 =	vperm.xlane v4, v1  }
0x2e5: {  	v0 =	vmul.f32 $1.562500000e-02, v0;
	v1 =	vmul.f32 $1.562500000e-02, v19;
	v58 =	vsub.f32 $0.0e+00, v13  }
0x2e6: {  	v10 =	vmul.f32 $1.562500000e-02, v10;
	v8 =	vmul.f32 $1.562500000e-02, v8;
	v47 =	vsub.f32 $0.0e+00, v14  }
0x2e7: {  	v2 =	vmul.f32 $1.562500000e-02, v2;
	v60 =	vsub.f32 $0.0e+00, v0;
	v0 =	vmul.f32 v0, v0  }
0x2e8: {  	v41 =	vsub.f32 $0.0e+00, v3;
	v4 =	vadd.f32 v5, v4;
	v5 =	vmul.f32 $1.562500000e-02, v9  }
0x2e9: {  	v9 =	vmul.f32 $1.562500000e-02, v12;
	v0 =	vsub.f32 v2, v0;
	v2 =	vmul.f32 v13, v13  }
0x2ea: {  	v43 =	vsub.f32 $0.0e+00, v1;
	v5 =	vsub.f32 v5, v6;
	v6 =	vmul.f32 v14, v14  }
0x2eb: {  	v4 =	vmul.f32 $1.562500000e-02, v4;
	v2 =	vsub.f32 v9, v2;
	v9 =	vmul.f32 v7, v7  }
0x2ec: {  	v6 =	vsub.f32 v11, v6;
	v11 =	vmul.f32 v3, v3;
	v0 =	vadd.f32 $9.999999740e-06, v0  }
0x2ed: {  	v5 =	vadd.f32 $9.999999740e-06, v5;
	v9 =	vsub.f32 v10, v9;
	v10 =	vmul.f32 v1, v1  }
0x2ee: {  	v8 =	vsub.f32 v8, v11;
	v11 =	vmul.f32 v56, v53;
	v12 =	vshra.s32 v0, $0x1  }
0x2ef: {  	v2 =	vadd.f32 $9.999999740e-06, v2;
	v0 =	vmul.f32 $5.000000000e-01, v0;
	v6 =	vadd.f32 $9.999999740e-06, v6  }
0x2f0: {  	v12 =	vsub.s32 $0x5F3759DF, v12;
	v4 =	vsub.f32 v4, v10;
	v9 =	vadd.f32 $9.999999740e-06, v9  }
0x2f1: {  	v10 =	vshra.s32 v5, $0x1;
	v8 =	vadd.f32 $9.999999740e-06, v8;
	v5 =	vmul.f32 $5.000000000e-01, v5  }
0x2f2: {  	v13 =	vshra.s32 v2, $0x1;
	v2 =	vmul.f32 $5.000000000e-01, v2;
	v15 =	vshra.s32 v6, $0x1  }
0x2f3: {  	v6 =	vmul.f32 $5.000000000e-01, v6;
	v19 =	vmul.f32 v12, v0;
	v57 =	vadd.f32 v54, v11  }
0x2f4: {  	v10 =	vsub.s32 $0x5F3759DF, v10;
	v15 =	vsub.s32 $0x5F3759DF, v15;
	v16 =	vshra.s32 v9, $0x1  }
0x2f5: {  	v9 =	vmul.f32 $5.000000000e-01, v9;
	v17 =	vshra.s32 v8, $0x1;
	v8 =	vmul.f32 $5.000000000e-01, v8  }
0x2f6: {  	v13 =	vsub.s32 $0x5F3759DF, v13;
	v20 =	vmul.f32 v10, v5;
	v21 =	vmul.f32 v15, v6  }
0x2f7: {  	v14 =	vmul.f32 v13, v2;
	v3 =	vmul.f32 v12, v19;
	v16 =	vsub.s32 $0x5F3759DF, v16  }
0x2f8: {  	v17 =	vsub.s32 $0x5F3759DF, v17;
	v1 =	vmul.f32 v10, v20;
	v11 =	vmul.f32 v15, v21  }
0x2f9: {  	v22 =	vmul.f32 v17, v8;
	v14 =	vmul.f32 v13, v14;
	v3 =	vsub.f32 $1.500000000e+00, v3  }
0x2fa: {  	v7 =	vmul.f32 v16, v9;
	v1 =	vsub.f32 $1.500000000e+00, v1;
	v11 =	vsub.f32 $1.500000000e+00, v11  }
0x2fb: {  	v20 =	vmul.f32 v17, v22;
	v3 =	vmul.f32 v12, v3;
	v12 =	vsub.f32 $1.500000000e+00, v14;
	v14 =	vld [tilespmem:$0x1FF40]  }
0x2fc: {  	v7 =	vmul.f32 v16, v7;
	v11 =	vmul.f32 v15, v11;
	v15 =	vld [tilespmem:$0x1FCC0]  }
0x2fd: {  	v1 =	vmul.f32 v10, v1;
	v10 =	vsub.f32 $1.500000000e+00, v20  }
0x2fe: {  	v7 =	vsub.f32 $1.500000000e+00, v7  }
0x2ff: {  	v10 =	vmul.f32 v17, v10;
	v5 =	vmul.f32 v1, v5  }
0x300: {  	v0 =	vmul.f32 v3, v0;
	v7 =	vmul.f32 v16, v7;
	v16 =	vld [tilespmem:$0x1FCD0]  }
0x301: {  	v8 =	vmul.f32 v10, v8;
	v5 =	vmul.f32 v5, v1;
	v14 =	vadd.f32 v15, v14;
	v15 =	vld [tilespmem:$0x1FF90]  }
0x302: {  	v4 =	vadd.f32 $9.999999740e-06, v4;
	v6 =	vmul.f32 v11, v6;
	v0 =	vmul.f32 v0, v3  }
0x303: {  	v9 =	vmul.f32 v7, v9;
	v8 =	vmul.f32 v8, v10;
	v5 =	vsub.f32 $1.500000000e+00, v5  }
0x304: {  	v18 =	vshra.s32 v4, $0x1;
	v6 =	vmul.f32 v6, v11;
	v0 =	vsub.f32 $1.500000000e+00, v0;
	[tilespmem:s26+$0x30] =	vst v14;
	v14 =	vld [tilespmem:$0x1FFA0]  }
0x305: {  	v9 =	vmul.f32 v9, v7;
	v1 =	vmul.f32 v5, v1;
	v5 =	vsub.f32 $1.500000000e+00, v8;
	v8 =	vld [tilespmem:$0x1FFB0]  }
0x306: {  	v4 =	vmul.f32 $5.000000000e-01, v4;
	v18 =	vsub.s32 $0x5F3759DF, v18;
	v15 =	vadd.f32 v16, v15;
	v16 =	vld [tilespmem:$0x1FCE0]  }
0x307: {  	v0 =	vmul.f32 v0, v3;
	v3 =	vsub.f32 $1.500000000e+00, v6;
	v6 =	vsub.f32 $1.500000000e+00, v9;
	v9 =	vld [tilespmem:$0x1FD30]  }
0x308: {  	v19 =	vmul.f32 v18, v4  }
0x309: {  	v6 =	vmul.f32 v6, v7;
	v7 =	vld [tilespmem:$0x1FF40]  }
0x30a: {  	v19 =	vmul.f32 v18, v19;
	v12 =	vmul.f32 v13, v12;
	[tilespmem:s26+$0x80] =	vst v15;
	v15 =	vld [tilespmem:$0x1FFB0]  }
0x30b: {  	v14 =	vadd.f32 v16, v14;
	v16 =	vld [tilespmem:$0x1FCF0]  }
0x30c: {  	v13 =	vsub.f32 $1.500000000e+00, v19;
	v2 =	vmul.f32 v12, v2;
	v8 =	vadd.f32 v9, v8;
	v9 =	vld [tilespmem:$0x1FD40]  }
0x30d: {  	v5 =	vmul.f32 v5, v10;
	v10 =	vld [tilespmem:$0x1FD50]  }
0x30e: {  	v13 =	vmul.f32 v18, v13;
	v2 =	vmul.f32 v2, v12;
	[tilespmem:s26+$0x120] =	vst v8;
	v8 =	vld [tilespmem:$0x1FF90]  }
0x30f: {  	[tilespmem:s26+$0x90] =	vst v14;
	v14 =	vld [tilespmem:$0x1FF40]  }
0x310: {  	v4 =	vmul.f32 v13, v4;
	v2 =	vsub.f32 $1.500000000e+00, v2;
	v15 =	vadd.f32 v16, v15;
	v16 =	vld [tilespmem:$0x1FD00]  }
0x311: {  	v7 =	vadd.f32 v9, v7  }
0x312: {  	v4 =	vmul.f32 v4, v13;
	v2 =	vmul.f32 v2, v12;
	v12 =	vld [tilespmem:$0x1FD60]  }
0x313: {  	[tilespmem:s26+$0x130] =	vst v7;
	v7 =	vld [tilespmem:$0x1FFA0]  }
0x314: {  	v4 =	vsub.f32 $1.500000000e+00, v4;
	[tilespmem:s26+$0xA0] =	vst v15;
	v15 =	vld [tilespmem:$0x1FF90]  }
0x315: {  	v8 =	vadd.f32 v10, v8;
	v14 =	vadd.f32 v16, v14;
	v16 =	vld [tilespmem:$0x1FD10]  }
0x316: {  	v4 =	vmul.f32 v4, v13;
	v13 =	vld [tilespmem:$0x1FD80]  }
0x317: {  	[tilespmem:s26+$0x180] =	vst v8;
	v8 =	vld [tilespmem:$0x1FFB0]  }
0x318: {  	v7 =	vadd.f32 v12, v7;
	v12 =	vld [tilespmem:$0x1FD70]  }
0x319: {  	[tilespmem:s26+$0xB0] =	vst v14;
	v14 =	vld [tilespmem:$0x1FFA0]  }
0x31a: {  	v3 =	vmul.f32 v3, v11;
	v15 =	vadd.f32 v16, v15;
	v16 =	vld [tilespmem:$0x1FD20]  }
0x31b: {  	v11 =	vmul.f32 v0, v40;
	v17 =	vmul.f32 v2, v30  }
0x31c: {  	v18 =	vmul.f32 v3, v47;
	v19 =	vmul.f32 v3, v36  }
0x31d: {  	v9 =	vmul.f32 v0, v60;
	v10 =	vmul.f32 v0, v55;
	v8 =	vadd.f32 v13, v8  }
0x31e: {  	v20 =	vmul.f32 v3, v38;
	v21 =	vmul.f32 v3, v39;
	[tilespmem:s26+$0x190] =	vst v7  }
0x31f: {  	v10 =	vadd.f32 v9, v10;
	[tilespmem:s26+$0x1A0] =	vst v8;
	v12 =	vmul.f32 v0, v12;
	v14 =	vadd.f32 v16, v14  }
0x320: {  	v13 =	vmul.f32 v1, v59;
	v7 =	vadd.f32 v9, v11;
	v0 =	vmul.f32 v0, v33;
	[tilespmem:s26+$0x100] =	vst v15  }
0x321: {  	v11 =	vmul.f32 v1, v34;
	v15 =	vmul.f32 v1, v32;
	v8 =	vadd.f32 v9, v12;
	[tilespmem:s26+$0x110] =	vst v14;
	v14 =	vld [tilespmem:$0x1FD90]  }
0x322: {  	v12 =	vmul.f32 v2, v58;
	v0 =	vadd.f32 v9, v0;
	v9 =	vmul.f32 v2, v28  }
0x323: {  	v3 =	vmul.f32 v3, v24;
	v11 =	vadd.f32 v13, v11;
	v16 =	vmul.f32 v2, v29  }
0x324: {  	v22 =	vmul.f32 v6, v26;
	v15 =	vadd.f32 v13, v15;
	v9 =	vadd.f32 v12, v9  }
0x325: {  	v2 =	vmul.f32 v2, v35;
	v24 =	vadd.f32 v12, v16;
	v16 =	vmul.f32 v6, v25  }
0x326: {  	v25 =	vadd.f32 v12, v17;
	v14 =	vmul.f32 v1, v14;
	v1 =	vmul.f32 v1, v31  }
0x327: {  	v17 =	vmul.f32 v5, v41;
	v2 =	vadd.f32 v12, v2;
	v12 =	vmul.f32 v5, v46  }
0x328: {  	v14 =	vadd.f32 v13, v14;
	v1 =	vadd.f32 v13, v1;
	v13 =	vmul.f32 v6, v37;
	_ =	sdelay $0x1  }
0x329: {  	v60 =	vadd.f32 v13, v22;
	v22 =	vadd.f32 v17, v12;
	v12 =	vld [tilespmem:$0x1FF80];
	_ =	sdelay $0x2  }
0x32a: {  	v58 =	vadd.f32 v18, v21;
	v21 =	vld [tilespmem:$0x1FDB0];
	_ =	sdelay $0x1  }
0x32b: {  	v0 =	vmul.f32 v0, v12;
	v12 =	vld [tilespmem:$0x1FF60];
	_ =	sdelay $0x2  }
0x32c: {  	v59 =	vmul.f32 v56, v21;
	v21 =	vld [tilespmem:$0x1FF50];
	_ =	sdelay $0x1  }
0x32d: {  	v11 =	vmul.f32 v11, v12;
	v12 =	vld [tilespmem:$0x1FF90];
	_ =	sdelay $0x2  }
0x32e: {  	v10 =	vmul.f32 v10, v21;
	_ =	sdelay $0x1  }
0x32f: {  	v10 =	vadd.f32 v10, v12;
	v12 =	vld [tilespmem:$0x1FF80]  }
0x330: {  	v23 =	vmul.f32 v6, v42  }
0x331: {  	v6 =	vmul.f32 v6, v45  }
0x332: {  	v61 =	vadd.f32 v13, v23  }
0x333: {  	v62 =	vadd.f32 v13, v16;
	v6 =	vadd.f32 v13, v6;
	v13 =	vld [tilespmem:$0x1FF70]  }
0x334: {  	v12 =	vmul.f32 v1, v12;
	v1 =	vld [tilespmem:$0x1FF50];
	_ =	sdelay $0x1  }
0x335: {  	v28 =	vadd.f32 v18, v19;
	v19 =	vmul.f32 v4, v43  }
0x336: {  	v29 =	vadd.f32 v18, v20;
	v20 =	vmul.f32 v4, v48;
	v31 =	vmul.f32 v4, v51;
	v21 =	vld [tilespmem:$0x1FF60]  }
0x337: {  	v8 =	vmul.f32 v8, v13  }
0x338: {  	v13 =	vadd.f32 v19, v20;
	v20 =	vadd.f32 v19, v31;
	v31 =	vmul.f32 v9, v1;
	v1 =	vld [tilespmem:$0x1FFA0];
	_ =	sdelay $0x2  }
0x339: {  	v7 =	vmul.f32 v7, v21;
	_ =	sdelay $0x1  }
0x33a: {  	v1 =	vadd.f32 v7, v1;
	v7 =	vld [tilespmem:$0x1FF60]  }
0x33b: {  	v26 =	vmul.f32 v5, v44;
	v3 =	vadd.f32 v18, v3;
	v18 =	vld [tilespmem:$0x1FDA0]  }
0x33c: {  	v27 =	vmul.f32 v5, v27;
	v5 =	vmul.f32 v5, v49;
	v9 =	vld [tilespmem:$0x1FF80]  }
0x33d: {  	v45 =	vld [tilespmem:$0x1FF40]  }
0x33e: {  	v21 =	vadd.f32 v17, v5;
	v5 =	vld [tilespmem:$0x1FF50]  }
0x33f: {  	v32 =	vmul.f32 v24, v7;
	v7 =	vld [tilespmem:$0x1FF70]  }
0x340: {  	[tilespmem:s28+$0xFFFFFE00] =	vst v10;
	v10 =	vld [tilespmem:$0x1FFA0]  }
0x341: {  	v35 =	vmul.f32 v2, v9;
	v9 =	vld [tilespmem:$0x1FF90]  }
0x342: {  	v2 =	vld [tilespmem:$0x1FF50]  }
0x343: {  	v30 =	vmul.f32 v4, v50;
	v4 =	vmul.f32 v4, v52;
	[tilespmem:s28+$0xFFFFFE10] =	vst v1;
	v1 =	vld [tilespmem:$0x1FF60]  }
0x344: {  	v0 =	vadd.f32 v0, v45;
	v36 =	vmul.f32 v25, v7;
	v7 =	vld [tilespmem:$0x1FFB0]  }
0x345: {  	v16 =	vadd.f32 v19, v4;
	v4 =	vld [tilespmem:$0x1FF70]  }
0x346: {  	[tilespmem:s28+$0xFFFFFE30] =	vst v0;
	v0 =	vld [tilespmem:$0x1FF80]  }
0x347: {  	v5 =	vmul.f32 v14, v5;
	v33 =	vadd.f32 v11, v10;
	v11 =	vld [tilespmem:$0x1FFB0]  }
0x348: {  	v24 =	vmul.f32 v28, v2;
	v2 =	vld [tilespmem:$0x1FF80]  }
0x349: {  	v28 =	vmul.f32 v29, v1;
	v1 =	vadd.f32 v5, v9;
	v5 =	vld [tilespmem:$0x1FF50];
	v7 =	vadd.f32 v8, v7  }
0x34a: {  	s29 =	sadd.s32 $0x8, s29;
	v8 =	vld [tilespmem:$0x1FF70]  }
0x34b: {  	p1 =	slt.u32 s29, $0x78;
	[tilespmem:s28+$0xFFFFFE20] =	vst v7;
	v7 =	vld [tilespmem:$0x1FF60]  }
.Ltmp3:
0x34c: {  	v63 =	vadd.f32 v17, v26;
	v18 =	vmul.f32 v56, v18;
	v23 =	vadd.f32 v17, v27;
	(pc) =	sbr.rel @p1 .LBB2_5-.Ltmp3, $4  }
0x34d: {  	v17 =	vadd.f32 v19, v30;
	v4 =	vmul.f32 v15, v4;
	v29 =	vmul.f32 v3, v2  }
0x34e: {  	v19 =	vadd.f32 v54, v18;
	v3 =	vmul.f32 v6, v0;
	v25 =	vmul.f32 v60, v5  }
0x34f: {  	v34 =	vadd.f32 v4, v11;
	v4 =	vmul.f32 v63, v5;
	v26 =	vmul.f32 v58, v8  }
0x350: {  	s30 =	sadd.s32 $0x400, s30;
	s26 =	smov.u32 s28;
	v15 =	vadd.f32 v54, v59;
	[tilespmem:s28+$0xFFFFFE80] =	vst v1;
	v6 =	vld [tilespmem:$0x1FF80];
	v30 =	vmul.f32 v62, v8;
	v27 =	vmul.f32 v61, v7  }
0x351: {  	[tilespmem:s28+$0xFFFFFE90] =	vst v33;
	v0 =	vadd.f32 v12, v45  }
0x352: {  	[tilespmem:s28+$0xFFFFFEA0] =	vst v34;
	v1 =	vadd.f32 v31, v9  }
0x353: {  	v37 =	vadd.f32 v32, v10;
	[tilespmem:s28+$0xFFFFFEB0] =	vst v0  }
0x354: {  	v38 =	vadd.f32 v36, v11;
	[tilespmem:s28+$0xFFFFFF00] =	vst v1  }
0x355: {  	v39 =	vadd.f32 v35, v45;
	[tilespmem:s28+$0xFFFFFF10] =	vst v37  }
0x356: {  	v40 =	vadd.f32 v24, v9;
	[tilespmem:s28+$0xFFFFFF20] =	vst v38  }
0x357: {  	v2 =	vadd.f32 v28, v10;
	[tilespmem:s28+$0xFFFFFF30] =	vst v39  }
0x358: {  	v41 =	vadd.f32 v26, v11;
	[tilespmem:s28+$0xFFFFFF80] =	vst v40  }
0x359: {  	v42 =	vadd.f32 v29, v45;
	[tilespmem:s28+$0xFFFFFF90] =	vst v2  }
0x35a: {  	v43 =	vadd.f32 v25, v9;
	[tilespmem:s28+$0xFFFFFFA0] =	vst v41  }
0x35b: {  	v49 =	vadd.f32 v4, v9;
	[tilespmem:s28+$0xFFFFFFB0] =	vst v42  }
0x35c: {  	v44 =	vadd.f32 v27, v10;
	[tilespmem:s28+$0x0] =	vst v43  }
0x35d: {  	v47 =	vmul.f32 v22, v7;
	v46 =	vadd.f32 v30, v11;
	[tilespmem:s26+$0x80] =	vst v49  }
0x35e: {  	v48 =	vadd.f32 v3, v45;
	v3 =	vmul.f32 v23, v8;
	[tilespmem:s28+$0x10] =	vst v44  }
0x35f: {  	v51 =	vmul.f32 v13, v5;
	v50 =	vadd.f32 v47, v10;
	[tilespmem:s28+$0x20] =	vst v46  }
0x360: {  	v60 =	vmul.f32 v15, v8;
	v52 =	vadd.f32 v3, v11;
	[tilespmem:s26+$0x30] =	vst v48  }
0x361: {  	v3 =	vmul.f32 v17, v7;
	v54 =	vadd.f32 v51, v9;
	[tilespmem:s26+$0x90] =	vst v50  }
0x362: {  	v63 =	vadd.f32 v60, v11;
	v4 =	vmul.f32 v21, v6;
	[tilespmem:s26+$0xA0] =	vst v52  }
0x363: {  	v55 =	vmul.f32 v16, v6;
	v56 =	vadd.f32 v3, v10;
	[tilespmem:s26+$0x100] =	vst v54  }
0x364: {  	v3 =	vmul.f32 v57, v5;
	[tilespmem:s26+$0x1A0] =	vst v63;
	v53 =	vadd.f32 v4, v45;
	v4 =	vmul.f32 v20, v8  }
0x365: {  	[tilespmem:s26+$0x110] =	vst v56;
	v59 =	vadd.f32 v55, v45  }
0x366: {  	v61 =	vadd.f32 v3, v9;
	[tilespmem:s26+$0xB0] =	vst v53;
	v58 =	vadd.f32 v4, v11;
	v4 =	vmul.f32 v19, v7  }
.Ltmp4:
0x367: {  	[tilespmem:s26+$0x130] =	vst v59;
	(pc) =	sbr.rel @p0 .LBB2_8-.Ltmp4, $4  }
0x368: {  	[tilespmem:s26+$0x180] =	vst v61;
	v62 =	vadd.f32 v4, v10  }
0x369: {  	s30 =	sshll.u32 s24, $0xC;
	[tilespmem:s26+$0x120] =	vst v58  }
0x36a: {  	s31 =	sadd.s32 s10, s30;
	[tilespmem:s26+$0x190] =	vst v62  }
0x36b: {  	[hbm4b:s31+s3] =	stream.linear.scatter [tilespmem:s20], [sflag:$0x4], $0x4000, $0x38;
	[tilespmem:$0x16500] =	vst v63  }
.Ltmp5:
0x36c: {  	(pc) =	sbr.rel .LBB2_2-.Ltmp5, $4  }
0x36d: {  	v60 =	vld [tilespmem:$0x1FFC0]  }
0x36e: {  	s25 =	sshrl.u32 s25, $0x2;
	v1 =	vld [tilespmem:$0x1FFD0]  }
0x36f: {  	s24 =	sadd.s32 $0x1, s24;
	v2 =	vld [tilespmem:$0x1FFE0];
	s25 =	sadd.s32 $0x180, s25  }
0x370: {  	v3 =	vld [tilespmem:$0x1FFF0];
	[tilespmem:s16], [sflag:$0x2] =	stream.indirect.gather [hbm4b:s5+s14], $0x80, s25, s14, $0xb8  }
.LBB2_9:
0x371: {  	_ =	sfence.sel $0x180000  }
0x372: {  	[bflag:$0x0] =	sbarrier.arrive $0xFFFF  }
0x373: {  	p0 =	sne.s32 s0, $0x0;
	_ =	strace $0x90000047  }
0x374: {  	s0 =	sadd.s32 @!p0 $0x100000, s4;
	[bflag:$0x2] =	sbarrier.arrive $0xFFFF  }
0x375: {  	[sflag:s0] =	ssyncadd.tile.s32 @!p0 $0x1;
	_ =	shalt  }
.Lfunc_end2:
_tile_overlayer_lowered:
.L_overlay_start_2:
0x376: {  	(tag) =	ssettag $0x2  }
0x377: {  	s0 =	rddreg [dreg:$0x0];
	s2 =	stileid.u32  }
0x378: {  	s1 =	rddreg [dreg:$0x1];
	p0 =	sne.s32 s2, $0x0  }
0x379: {  	s3 =	rddreg [dreg:$0x2];
	[bflag:$0x3] =	sbarrier.arrive $0xFFFF;
	s2 =	simm.s32 @!p0 $0x1C05  }
0x37a: {  	[timem:s3], [sflag:s2] =	dma.local @!p0 [hbm:s0], s1  }
0x37b: {  	s0 =	simm.s32 @!p0 $0x5  }
0x37c: {  	_ =	swait.ge @!p0 [sflag:s0], s1  }
0x37d: {  	s1 =	ssub.s32 @!p0 $0x0, s1;
	[sflag:s0] =	ssyncset.done @!p0 $0x0  }
0x37e: {  	[sflag:s0] =	ssyncadd.s32 @!p0 s1  }
0x37f: {  	[bflag:$0x3] =	sbarrier.arrive $0xFFFF  }
0x380: {  	_ =	shalt  }

// kernel: sparse-core-data-format-call.cloned.1.call-start
scs
called_computation_lowered:
.L_overlay_start_0:
0x0: {  	s2 =	sld [smem:$0x3FD9]  }
0x1: {  	s3 =	sld [smem:$0x3FFE];
	_ =	sdelay $0x1  }
0x2: {  	s1 =	srdreg.scid  }
0x3: {  	s0 =	sand.u32 $0x1, s1  }
0x4: {  	s18 =	sshll.u32 s0, $0xA;
	s2 =	sadd.s32 s3, s2  }
0x5: {  	s2 =	sadd.s32 s2, s18  }
0x6: {  	[smem:$0x3FC4] =	sst s2  }
0x7: {  	_ = 	snop  }
0x8: {  	s2 =	sld [smem:$0x3FD0];
	(tm) =	ssettm $0x1  }
0x9: {  	s19 =	sld [smem:$0x3FFB];
	_ =	sdelay $0x3  }
0xa: {  	_ =	strace s19  }
0xb: {  	s3 =	sld [smem:$0x3FFC];
	_ =	sdelay $0x3  }
0xc: {  	_ =	strace s3  }
0xd: {  	s3 =	sld [smem:$0x3FFD];
	_ =	sdelay $0x3  }
0xe: {  	_ =	strace s3  }
0xf: {  	_ =	strace $0x8FFFFFFF  }
0x10: {  	s20 =	sld [smem:$0x3FDB];
	_ =	sdelay $0x1  }
0x11: {  	s4 =	simm.s32 $_scs_section_size  }
0x12: {  	s5 =	simm.s32 $_size__tile_overlayer_lowered;
	s6 =	simm.s32 $_tile_overlayer_lowered  }
0x13: {  	s23 =	simm.s32 $0x1BFF;
	s22 =	sshll.u32 s6, $0x1;
	s3 =	sadd.s32 s4, s20  }
0x14: {  	s7 =	simm.s32 $0x0;
	s21 =	sshll.u32 s5, $0x1;
	s5 =	sadd.s32 s22, s3  }
0x15: {  	[timem:s7], [sflag:s23] =	dma.local [hbm:s5], s21  }
0x16: {  	_ =	swait.ge [sflag:s23], s21  }
0x17: {  	s4 =	ssub.s32 $0x0, s21;
	[sflag:s23] =	ssyncset.done $0x0  }
0x18: {  	[sflag:s23] =	ssyncadd.s32 s4;
	_ =	sdelay $0x1  }
0x19: {  	s24 =	simm.s32 $0x1B8B  }
0x1a: {  	_ =	swait.ge [sflag:s24], $0x1  }
0x1b: {  	[sflag:s24] =	ssyncset.done $0x0  }
0x1c: {  	s26 =	simm.s32 $0x1B8E;
	s25 =	sld [smem:$0x3FFE];
	[sflag:s24] =	ssyncadd.s32 $0xFFFFFFFF  }
0x1d: {  	s27 =	simm.s32 $execute0_lowered;
	[smem:$0x3FD2] =	sst s26  }
0x1e: {  	s5 =	sshll.u32 s27, $0x1;
	_ =	strace $0x80000049;
	[dreg:$0x1] =	wrdreg $0xFFFFFFFF  }
0x1f: {  	s28 =	simm.s32 $_size_execute0_lowered;
	s3 =	sadd.s32 s3, s5;
	[dreg:$0x0] =	wrdreg $0x0  }
0x20: {  	s5 =	sshll.u32 s28, $0x1;
	[dreg:$0x2] =	wrdreg s3  }
0x21: {  	[dreg:$0x3] =	wrdreg s5  }
0x22: {  	[dreg:$0x4] =	wrdreg $0xC0  }
0x23: {  	_ =	task [dreg:s7], $0x5FFFF  }
0x24: {  	[dreg:$0x1] =	wrdreg $0xFFFFFFFF  }
0x25: {  	[dreg:$0x0] =	wrdreg $0x60  }
0x26: {  	[dreg:$0x2] =	wrdreg s25  }
0x27: {  	[dreg:$0x3] =	wrdreg s2  }
0x28: {  	[dreg:$0x4] =	wrdreg $0x9  }
0x29: {  	_ =	task.clear_ibuf [dreg:s7], $0x5FFFF;
	_ =	strace $0x90000049  }
0x2a: {  	s29 =	simm.s32 $0x9;
	_ =	strace $0x8000004B  }
0x2b: {  	_ =	swait.ge [sflag:s29], $0x1  }
0x2c: {  	[sflag:s29] =	ssyncadd.s32 $0xFFFFFFFF  }
0x2d: {  	_ =	strace $0x9000004B  }
0x2e: {  	_ =	sfence  }
0x2f: {  	s30 =	sld [smem:$0x0];
	_ =	sdelay $0x2  }
0x30: {  	s31 =	sshll.u32 s1, $0xD;
	s1 =	sshrl.u32 s1, $0x2  }
0x31: {  	s3 =	sand.u32 $0x4000, s31;
	s1 =	sadd.s32 s1, s30  }
0x32: {  	s0 =	sor.u32 s3, s0;
	s1 =	sshll.u32 s1, $0x11  }
0x33: {  	s0 =	sor.u32 s1, s0  }
0x34: {  	s0 =	sadd.s32 $0x8F2B, s0  }
0x35: {  	[sflag:s0] =	ssyncadd.remote.s32 $0x1  }
0x36: {  	_ =	sfence.sel $0xFFFF  }
0x37: {  	[dreg:$0x0] =	wrdreg $0xFFFFFFFF;
	(pc) =	sbr.abs _section_cstart, $3  }
0x38: {  	[dreg:$0x1] =	wrdreg $0xFFFFFFFF  }
0x39: {  	_ =	task.clear_ibuf [dreg:s7], $0x2FFFF;
	_ =	strace $0x9FFFFFFF  }
0x3a: {  	(tm) =	ssettm $0x7FFFFFFF  }
0x3b: {  	_ =	shalt  }
tec
execute0_lowered:
.L_overlay_start_1:
0x0: {  	(tag) =	ssettag $0x1  }
0x1: {  	s0 =	srdreg.scid  }
0x2: {  	s1 =	sshll.u32 s0, $0x4  }
0x3: {  	s0 =	stileid.u32;
	s1 =	sand.u32 $0x10, s1  }
0x4: {  	s1 =	sor.u32 s0, s1  }
0x5: {  	s6 =	rddreg [dreg:$0x0];
	s4 =	simm.s32 $0x1;
	s2 =	sshll.u32 s1, $0x7  }
0x6: {  	s7 =	simm.s32 $0x2;
	s12 =	simm.s32 $0x0;
	s1 =	ssub.s32 $0x1000, s2  }
0x7: {  	s8 =	simm.s32 $0x8000;
	s13 =	simm.s32 $0x0;
	s3 =	sand.u32 $0xF80, s1  }
0x8: {  	s9 =	simm.s32 $0x0;
	s5 =	sshrl.u32 s1, $0xC;
	p0 =	sne.s32 s3, $0x0  }
.Ltmp0:
0x9: {  	s1 =	rddreg [dreg:$0x2];
	s4 =	simm.s32 @!p0 $0x0;
	(pc) =	sbr.rel .LBB1_1-.Ltmp0, $4  }
0xa: {  	s11 =	simm.s32 $0x0;
	s3 =	rddreg [dreg:$0x1];
	s5 =	sadd.s32 s4, s5  }
0xb: {  	_ =	strace $0x8000004A;
	s4 =	simm.s32 $0x1;
	s5 =	smul.u32 $0xC8, s5  }
0xc: {  	s6 =	sadd.s32 $0xA00, s6;
	s10 =	smov.u32 s2;
	[sflag:s4] =	ssyncpa.u1 $0x0  }
0xd: {  	p0 =	por $0x0, $0x0;
	[sflag:s7] =	ssyncpa.u1 $0x0;
	s7 =	sor.u32 $0x1, s5  }
.LBB1_4:
0xe: {  	s16 =	sshll.u32 s13, $0x3;
	s17 =	sand.u32 $0x78, s13  }
0xf: {  	s30 =	sand.u32 $0x7E00, s13;
	s12 =	sshll.u32 s12, $0xF;
	s16 =	sand.u32 $0xC00, s16  }
0x10: {  	[tilespmem:s15+$0x810 ss:$0x81] =	vst.msk $0xffff, v2;
	s31 =	sand.u32 $0x7, s13;
	s16 =	sor.u32 s17, s16;
	s17 =	sadd.s32 s3, s30  }
0x11: {  	[tilespmem:s15+$0x1020 ss:$0x81] =	vst.msk $0xffff, v0;
	s13 =	sshll.u32 s31, $0x12;
	s12 =	sadd.s32 s12, s17;
	s16 =	sshrl.u32 s16, $0x3  }
0x12: {  	[tilespmem:s15+$0x0 ss:$0x81] =	vst.msk $0xffff, v1;
	s13 =	sor.u32 $0x400, s13;
	s12 =	sadd.s32 s16, s12  }
0x13: {  	[hbm4b:s12+s13] =	stream.strided.scatter [tilespmem:s14], [sflag:$0x2], $0x2000, s8, s13, $0x20;
	[tilespmem:$0x8080] =	vst v63  }
.LBB1_5:
0x14: {  	s14 =	sadd.s32 $0x1, s9  }
0x15: {  	s12 =	sadd.s32 $0x1000, s10;
	s16 =	smov.u32 s10;
	p2 =	sgt.s32 s14, $0xC7  }
0x16: {  	s16 =	smov.u32 @p2 s12  }
0x17: {  	s14 =	simm.s32 @p2 $0x0;
	p2 =	sgt.s32 s16, $0xFFF  }
0x18: {  	s16 =	smov.u32 @p2 s2;
	p2 =	sne.s32 s11, s7  }
.Ltmp1:
0x19: {  	p1 =	slt.u32 s11, $0x2;
	(pc) =	sbr.rel @!p2 .LBB1_6-.Ltmp1, $4  }
0x1a: {  	s15 =	simm.s32 @!p1 $0x2  }
0x1b: {  	s13 =	smov.u32 s10;
	p0 =	por !p0, !p0;
	_ =	swait.ge @!p1 [sflag:s15], $0x2000  }
0x1c: {  	s12 =	smov.u32 s9;
	[sflag:s15] =	ssyncset.done @!p1 $0x0;
	s9 =	smov.u32 s14  }
0x1d: {  	s11 =	sadd.s32 $0x1, s11;
	[sflag:s15] =	ssyncadd.s32 @!p1 $0xFFFFE000;
	s10 =	smov.u32 s16  }
.LBB1_1:
0x1e: {  	p1 =	sge.u32 s11, s5  }
0x1f: {  	s14 =	sand.u32 @!p1 $0x1FFFFFF, s9  }
0x20: {  	s15 =	smulhi.u32 @!p1 $0x147AE15, s14;
	_ =	sdelay $0x1  }
0x21: {  	s15 =	smul.u32 @!p1 $0xC8, s15  }
0x22: {  	s16 =	sxor.u32 @!p1 $0xFFFFFFFF, s11;
	s17 =	smul.u32 @!p1 $0xC80, s10  }
0x23: {  	s31 =	sadd.s32 $0xFFFFFFFF, s11;
	s16 =	sshll.u32 @!p1 s16, $0xD;
	s14 =	ssub.s32 @!p1 s14, s15  }
0x24: {  	s15 =	sand.u32 @!p1 $0x2000, s16;
	s16 =	sadd.s32 @!p1 s6, s17;
	s14 =	sshll.u32 @!p1 s14, $0x4  }
0x25: {  	s17 =	simm.s32 @!p1 $0x6400;
	s14 =	sadd.s32 @!p1 s14, s16;
	s16 =	simm.s32 @!p1 $0x40  }
0x26: {  	[tilespmem:s15], [sflag:$0x1] =	stream.strided.gather @!p1 [hbm4b:s14+s16], $0x2000, s17, s16, $0x38;
	[tilespmem:$0x8080] =	vst v63  }
0x27: {  	p1 =	sge.u32 s31, s5  }
.Ltmp2:
0x28: {  	_ = 	snop;
	(pc) =	sbr.rel @p1 .LBB1_5-.Ltmp2, $1  }
0x29: {  	_ =	sdelay $0x3  }
0x2a: {  	s14 =	simm.s32 $0x1  }
0x2b: {  	_ =	swait.ge [sflag:s4], $0x2000;
	s14 =	simm.s32 @!p0 $0x0  }
0x2c: {  	[sflag:s4] =	ssyncset.done $0x0;
	s15 =	sshll.u32 s14, $0xD  }
0x2d: {  	[sflag:s4] =	ssyncadd.s32 $0xFFFFE000;
	s18 =	sor.u32 $0x20, s15  }
0x2e: {  	s14 =	smul.u32 $0x8100, s14;
	v3 =	vld [tilespmem:s18+$0x10]  }
0x2f: {  	s30 =	sand.u32 $0x1, s11;
	v2 =	vld [tilespmem:s18+$0xFFFFFFF0]  }
0x30: {  	s15 =	smul.u32 $0x8100, s30;
	s14 =	sshrl.u32 s14, $0x2;
	v0 =	vld [tilespmem:s18+$0x0]  }
0x31: {  	v1 =	vld [tilespmem:s18+$0xFFFFFFE0];
	s16 =	sor.u32 $0x4000, s14  }
0x32: {  	s31 =	sshrl.u32 s15, $0x2;
	s15 =	sadd.s32 $0x0, s16  }
0x33: {  	s17 =	simm.s32 $0x4;
	s18 =	sadd.s32 $0x40, s18;
	s14 =	sor.u32 $0x4000, s31;
	[tilespmem:s15+$0x1830 ss:$0x81] =	vst.msk $0xffff, v3  }
.LBB1_3:
0x34: {  	v3 =	vld [tilespmem:s18+$0x10];
	p1 =	sne.s32 s17, $0x1FC;
	[tilespmem:s15+$0x810 ss:$0x81] =	vst.msk $0xffff, v2;
	s19 =	smov.u32 s17;
	s17 =	sadd.s32 $0x4, s17  }
.Ltmp3:
0x35: {  	v2 =	vld [tilespmem:s18+$0xFFFFFFF0];
	[tilespmem:s15+$0x1020 ss:$0x81] =	vst.msk $0xffff, v0;
	(pc) =	sbr.rel @p1 .LBB1_3-.Ltmp3, $4  }
0x36: {  	v0 =	vld [tilespmem:s18+$0x0];
	[tilespmem:s15+$0x0 ss:$0x81] =	vst.msk $0xffff, v1  }
0x37: {  	s15 =	sshra.s32 s19, $0x2;
	v1 =	vld [tilespmem:s18+$0xFFFFFFE0]  }
0x38: {  	s15 =	sadd.s32 s15, s16  }
0x39: {  	s18 =	sadd.s32 $0x40, s18;
	[tilespmem:s15+$0x1830 ss:$0x81] =	vst.msk $0xffff, v3  }
.Ltmp4:
0x3a: {  	_ = 	snop;
	(pc) =	sbr.rel .LBB1_4-.Ltmp4, $1  }
0x3b: {  	_ =	sdelay $0x3  }
.LBB1_6:
0x3c: {  	_ =	sfence.sel $0x180000  }
0x3d: {  	s2 =	simm.s32 $0x1;
	[bflag:$0x0] =	sbarrier.arrive $0xFFFF  }
0x3e: {  	s31 =	simm.s32 $0x2;
	[sflag:s2] =	ssyncpa.u1 $0x1  }
0x3f: {  	[sflag:s31] =	ssyncpa.u1 $0x1  }
0x40: {  	p0 =	sne.s32 s0, $0x0;
	_ =	strace $0x9000004A  }
0x41: {  	s0 =	sadd.s32 @!p0 $0x100000, s1;
	[bflag:$0x2] =	sbarrier.arrive $0xFFFF  }
0x42: {  	[sflag:s0] =	ssyncadd.tile.s32 @!p0 $0x1;
	_ =	shalt  }
.Lfunc_end1:
_tile_overlayer_lowered:
.L_overlay_start_2:
0x43: {  	(tag) =	ssettag $0x2  }
0x44: {  	s0 =	rddreg [dreg:$0x0];
	s2 =	stileid.u32  }
0x45: {  	s1 =	rddreg [dreg:$0x1];
	p0 =	sne.s32 s2, $0x0  }
0x46: {  	s3 =	rddreg [dreg:$0x2];
	[bflag:$0x3] =	sbarrier.arrive $0xFFFF;
	s2 =	simm.s32 @!p0 $0x1C01  }
0x47: {  	[timem:s3], [sflag:s2] =	dma.local @!p0 [hbm:s0], s1  }
0x48: {  	s0 =	simm.s32 @!p0 $0x1  }
0x49: {  	_ =	swait.ge @!p0 [sflag:s0], s1  }
0x4a: {  	s1 =	ssub.s32 @!p0 $0x0, s1;
	[sflag:s0] =	ssyncset.done @!p0 $0x0  }
0x4b: {  	[sflag:s0] =	ssyncadd.s32 @!p0 s1  }
0x4c: {  	[bflag:$0x3] =	sbarrier.arrive $0xFFFF  }
0x4d: {  	_ =	shalt  }

</sc_bundles>
